<compile_context>
chip_gen: v7x
topology: tpu7x:2x2x1
jax: 0.10.2.dev20260603
libtpu: 0.0.44.dev20260713+nightly
codegen_flags: <defaults>
</compile_context>

<pallas_src>
import functools

import jax
import jax.numpy as jnp
from jax import lax
from jax.experimental import pallas as pl
from jax.experimental.pallas import tpu as pltpu
from jax.experimental.pallas import tpu_sc as plsc


def _build_sc_kernel(B, S, P, H, V):
    info = plsc.get_sparse_core_info()
    NC, NS, L = info.num_cores, info.num_subcores, info.num_lanes
    NW = NC * NS
    assert (B * S) % NW == 0
    TPW = (B * S) // NW
    WPR = NW // B
    assert S % WPR == 0 and TPW == S // WPR
    CH = 16
    NBUF = 6
    DEPTH = 5
    NCHUNK = TPW // CH
    IPW = P // WPR

    mesh = plsc.VectorSubcoreMesh(core_axis_name="c", subcore_axis_name="s")

    @functools.partial(
        pl.kernel,
        out_type=[
            jax.ShapeDtypeStruct((B, S, H), jnp.float32),
            jax.ShapeDtypeStruct((B, S), jnp.int32),
        ],
        mesh=mesh,
        scratch_types=[
            pltpu.VMEM((S,), jnp.int32),
            pltpu.VMEM((L,), jnp.int32),
            pltpu.VMEM((TPW,), jnp.int32),
        ] + [pltpu.VMEM((CH, H), jnp.float32) for _ in range(NBUF)]
          + [pltpu.VMEM((L, H), jnp.float32)]
          + [pltpu.VMEM((L,), jnp.int32)]
          + [pltpu.SemaphoreType.DMA for _ in range(2 * NBUF + 1)],
    )
    def body(ids_hbm, img_hbm, tid_hbm, w_hbm, out_hbm, mask_hbm,
             row_v, tid_v, mask_v, *rest):
        bufs = rest[:NBUF]
        ibuf = rest[NBUF]
        sidx_v = rest[NBUF + 1]
        gsems = rest[NBUF + 2:2 * NBUF + 2]
        osems = rest[2 * NBUF + 2:3 * NBUF + 2]
        sem = rest[3 * NBUF + 2]
        c = lax.axis_index("c")
        s = lax.axis_index("s")
        wid = c * NS + s
        b = wid // WPR
        kw = wid % WPR
        loc = kw * TPW

        pltpu.sync_copy(ids_hbm.at[b], row_v)
        pltpu.sync_copy(tid_hbm, tid_v)
        tidv = tid_v[...]

        gd = [None] * NBUF
        od = [None] * NBUF

        def fire_g(k):
            gd[k % NBUF] = pltpu.async_copy(
                w_hbm.at[row_v.at[pl.ds(loc + k * CH, CH)]],
                bufs[k % NBUF], gsems[k % NBUF])

        def fire_o(k):
            od[k % NBUF] = pltpu.async_copy(
                bufs[k % NBUF], out_hbm.at[b, pl.ds(loc + k * CH, CH)],
                osems[k % NBUF])

        for k in range(DEPTH):
            fire_g(k)

        def scan_body(i, acc):
            v = row_v[pl.ds(i * L, L)]
            posv = lax.iota(jnp.int32, L) + i * L
            return jnp.minimum(acc, jnp.where(v == tidv, posv, S))

        fpv = lax.fori_loop(0, S // L, scan_body,
                            jnp.full((L,), S, jnp.int32))
        dnums = lax.GatherDimensionNumbers(
            offset_dims=(), collapsed_slice_dims=(0,), start_index_map=(0,))
        for st in (1, 2, 4, 8):
            perm = (lax.iota(jnp.int32, L) ^ st)[:, None]
            fpv = jnp.minimum(
                fpv, lax.gather(fpv, perm, dnums, (1,),
                                mode=lax.GatherScatterMode.PROMISE_IN_BOUNDS))
        fp = jnp.squeeze(lax.slice(fpv, (0,), (1,)))
        valid = fp <= S - P

        iota = lax.iota(jnp.int32, L)
        one = jnp.full((L,), 1, jnp.int32)
        zero = jnp.full((L,), 0, jnp.int32)
        for j in range(TPW // L):
            v = row_v[pl.ds(loc + j * L, L)]
            mask_v[pl.ds(j * L, L)] = jnp.where(v != -100, one, zero)
        pltpu.sync_copy(mask_v, mask_hbm.at[b, pl.ds(loc, TPW)])

        o_pending = [False] * NCHUNK
        for k in range(NCHUNK):
            gd[k % NBUF].wait()
            fire_o(k)
            o_pending[k] = True
            nk = k + DEPTH
            if nk < NCHUNK:
                j = nk - NBUF
                if j >= 0:
                    od[j % NBUF].wait()
                    o_pending[j] = False
                fire_g(nk)
        for k in range(NCHUNK):
            if o_pending[k]:
                od[k % NBUF].wait()

        plsc.subcore_barrier()

        @pl.when(valid)
        def _image_overwrite():
            for h in range(IPW // L):
                pltpu.sync_copy(
                    img_hbm.at[b, pl.ds(kw * IPW + h * L, L)], ibuf)
                sidx_v[...] = fpv + kw * IPW + h * L + iota
                pltpu.async_copy(ibuf, out_hbm.at[b].at[sidx_v], sem).wait()

    return body


def kernel(input_ids, image_features, image_token_id, W):
    B, S = input_ids.shape
    _, P, H = image_features.shape
    V = W.shape[0]

    ids = input_ids.astype(jnp.int32)
    tid = jnp.full((16,), image_token_id, dtype=jnp.int32)

    sc = _build_sc_kernel(B, S, P, H, V)
    out, mask = sc(ids, image_features, tid, W)
    return out, mask

# --- scband reference (transcript-rebuilt; emitter-appended) ---
"""Pipeline reference for scband-multimodal-embedding-87162066305488 (READ-ONLY COPY).

The authoritative reference and input builder live on the scoring server;
editing this copy changes nothing except your own understanding.
"""

import jax, jax.numpy as jnp
import numpy as np

VOCAB = 100000
HID = 1024
B = 4
S = 2048
P = 256


def setup_inputs(seed: int = 0) -> dict:
    key = jax.random.key(seed)
    k1, k2, k3 = jax.random.split(key, 3)
    input_ids = jax.random.randint(k1, (B, S), 0, VOCAB)
    image_features = jax.random.normal(k2, (B, P, HID), dtype=jnp.float32)
    W = jax.random.normal(k3, (VOCAB, HID), dtype=jnp.float32) * 0.02
    return {"input_ids": input_ids, "image_features": image_features, "image_token_id": 50, "W": W}


def reference(input_ids, image_features, image_token_id, W):
    batch_size, seq_len = input_ids.shape
    # text embedding lookup (gather)
    text_embeddings = jnp.take(W, input_ids, axis=0)
    text_attention_mask = (input_ids != -100).astype(jnp.int32)
    num_patches = image_features.shape[1]
    positions = jnp.arange(seq_len)
    eq = input_ids == image_token_id
    first_pos = jnp.min(jnp.where(eq, positions[None, :], seq_len), axis=1)
    valid = (first_pos < seq_len) & (first_pos + num_patches <= seq_len)
    window = (positions[None, :] >= first_pos[:, None]) & (
        positions[None, :] < first_pos[:, None] + num_patches
    )
    mask = window & valid[:, None]
    offsets = jnp.clip(positions[None, :] - first_pos[:, None], 0, num_patches - 1)
    gathered = jnp.take_along_axis(image_features, offsets[:, :, None], axis=1)
    merged_embeddings = jnp.where(mask[:, :, None], gathered, text_embeddings)
    merged_attention_mask = jnp.where(mask, jnp.int32(1), text_attention_mask)
    return merged_embeddings, merged_attention_mask

if __name__ == "__main__":
    import jax
    _d = setup_inputs()
    print(jax.jit(kernel)(*tuple(_d.values())))

</pallas_src>

<mosaic_0001>
#map = affine_map<(d0, d1) -> (0, 0)>
#map1 = affine_map<(d0, d1) -> (0, 0, 0)>
#map2 = affine_map<(d0, d1) -> (0)>
module attributes {stable_mosaic.version = 14 : i64} {
  func.func @body(%arg0: i32, %arg1: i32, %arg2: memref<4x2048xi32, #tpu.memory_space<hbm>>, %arg3: memref<4x256x1024xf32, #tpu.memory_space<hbm>>, %arg4: memref<16xi32, #tpu.memory_space<hbm>>, %arg5: memref<100000x1024xf32, #tpu.memory_space<hbm>>, %arg6: memref<4x2048x1024xf32, #tpu.memory_space<hbm>>, %arg7: memref<4x2048xi32, #tpu.memory_space<hbm>>, %arg8: memref<2048xi32, #tpu.memory_space<vmem>>, %arg9: memref<16xi32, #tpu.memory_space<vmem>>, %arg10: memref<256xi32, #tpu.memory_space<vmem>>, %arg11: memref<16x1024xf32, #tpu.memory_space<vmem>>, %arg12: memref<16x1024xf32, #tpu.memory_space<vmem>>, %arg13: memref<16x1024xf32, #tpu.memory_space<vmem>>, %arg14: memref<16x1024xf32, #tpu.memory_space<vmem>>, %arg15: memref<16x1024xf32, #tpu.memory_space<vmem>>, %arg16: memref<16x1024xf32, #tpu.memory_space<vmem>>, %arg17: memref<16x1024xf32, #tpu.memory_space<vmem>>, %arg18: memref<16xi32, #tpu.memory_space<vmem>>, %arg19: memref<!tpu.dma_semaphore, #tpu.memory_space<semaphore_mem>>, %arg20: memref<!tpu.dma_semaphore, #tpu.memory_space<semaphore_mem>>, %arg21: memref<!tpu.dma_semaphore, #tpu.memory_space<semaphore_mem>>, %arg22: memref<!tpu.dma_semaphore, #tpu.memory_space<semaphore_mem>>, %arg23: memref<!tpu.dma_semaphore, #tpu.memory_space<semaphore_mem>>, %arg24: memref<!tpu.dma_semaphore, #tpu.memory_space<semaphore_mem>>, %arg25: memref<!tpu.dma_semaphore, #tpu.memory_space<semaphore_mem>>, %arg26: memref<!tpu.dma_semaphore, #tpu.memory_space<semaphore_mem>>, %arg27: memref<!tpu.dma_semaphore, #tpu.memory_space<semaphore_mem>>, %arg28: memref<!tpu.dma_semaphore, #tpu.memory_space<semaphore_mem>>, %arg29: memref<!tpu.dma_semaphore, #tpu.memory_space<semaphore_mem>>, %arg30: memref<!tpu.dma_semaphore, #tpu.memory_space<semaphore_mem>>, %arg31: memref<!tpu.dma_semaphore, #tpu.memory_space<semaphore_mem>>) attributes {dimension_semantics = [#tpu.dimension_semantics<core_parallel>, #tpu.dimension_semantics<subcore_parallel>], iteration_bounds = array<i64: 2, 16>, scalar_prefetch = 0 : i64, scratch_operands = 24 : i64, tpu.core_type = #tpu.core_type<sc_vector_subcore>, window_params = [{transform_indices = #map}, {transform_indices = #map1}, {transform_indices = #map2}, {transform_indices = #map}, {transform_indices = #map1}, {transform_indices = #map}]} {
    %mul3A = arith.constant 16 : i32
    %mul3A_0 = arith.muli %arg0, %mul3A : i32
    %add3A = arith.addi %mul3A_0, %arg1 : i32
    %jit3A = arith.constant 8 : i32
    %div3A = arith.divsi %add3A, %jit3A : i32
    %sign3A = arith.constant 0 : i32
    %sign3A_1 = arith.cmpi sgt, %add3A, %sign3A : i32
    %sign3A_2 = arith.extui %sign3A_1 : i1 to i32
    %sign3A_3 = arith.constant 0 : i32
    %sign3A_4 = arith.cmpi slt, %add3A, %sign3A_3 : i32
    %sign3A_5 = arith.extui %sign3A_4 : i1 to i32
    %sign3A_6 = arith.subi %sign3A_2, %sign3A_5 : i32
    %sign3A_7 = arith.constant 0 : i32
    %sign3A_8 = arith.cmpi sgt, %jit3A, %sign3A_7 : i32
    %sign3A_9 = arith.extui %sign3A_8 : i1 to i32
    %sign3A_10 = arith.constant 0 : i32
    %sign3A_11 = arith.cmpi slt, %jit3A, %sign3A_10 : i32
    %sign3A_12 = arith.extui %sign3A_11 : i1 to i32
    %sign3A_13 = arith.subi %sign3A_9, %sign3A_12 : i32
    %ne3A = arith.cmpi ne, %sign3A_6, %sign3A_13 : i32
    %rem3A = arith.remsi %add3A, %jit3A : i32
    %ne3A_14 = arith.constant 0 : i32
    %ne3A_15 = arith.cmpi ne, %rem3A, %ne3A_14 : i32
    %and3A = arith.andi %ne3A, %ne3A_15 : i1
    %sub3A = arith.constant 1 : i32
    %sub3A_16 = arith.subi %div3A, %sub3A : i32
    %select_n3A = arith.select %and3A, %sub3A_16, %div3A : i32
    %jit3A_17 = arith.constant 8 : i32
    %eq3A = arith.constant 0 : i32
    %eq3A_18 = arith.cmpi eq, %jit3A_17, %eq3A : i32
    %jit3A_19 = arith.constant 1 : i32
    %select_n3A_20 = arith.select %eq3A_18, %jit3A_19, %jit3A_17 : i32
    %rem3A_21 = arith.remsi %add3A, %select_n3A_20 : i32
    %ne3A_22 = arith.constant 0 : i32
    %ne3A_23 = arith.cmpi ne, %rem3A_21, %ne3A_22 : i32
    %lt3A = arith.constant 0 : i32
    %lt3A_24 = arith.cmpi slt, %rem3A_21, %lt3A : i32
    %lt3A_25 = arith.constant 0 : i32
    %lt3A_26 = arith.cmpi slt, %select_n3A_20, %lt3A_25 : i32
    %ne3A_27 = arith.xori %lt3A_24, %lt3A_26 : i1
    %and3A_28 = arith.andi %ne3A_27, %ne3A_23 : i1
    %add3A_29 = arith.addi %rem3A_21, %select_n3A_20 : i32
    %select_n3A_30 = arith.select %and3A_28, %add3A_29, %rem3A_21 : i32
    %mul3A_31 = arith.constant 256 : i32
    %mul3A_32 = arith.muli %select_n3A_30, %mul3A_31 : i32
    "tpu.region"() ({
      %run_scoped3A = tpu.sem_alloc : memref<!tpu.dma_semaphore, #tpu.memory_space<semaphore_mem>>
      %dma_start3A_665 = arith.constant 0 : i32
      %dma_start3A_666 = tpu.memref_slice %arg2[%select_n3A, %dma_start3A_665] : memref<4x2048xi32, #tpu.memory_space<hbm>> -> memref<1x2048xi32, #tpu.memory_space<hbm>>
      %dma_start3A_667 = tpu.memref_squeeze %dma_start3A_666 : memref<1x2048xi32, #tpu.memory_space<hbm>> -> memref<2048xi32, #tpu.memory_space<hbm>>
      %dma_start3A_668 = arith.constant 0 : i32
      %dma_start3A_669 = tpu.memref_slice %arg2[%select_n3A, %dma_start3A_668] : memref<4x2048xi32, #tpu.memory_space<hbm>> -> memref<1x2048xi32, #tpu.memory_space<hbm>>
      %dma_start3A_670 = tpu.memref_squeeze %dma_start3A_669 : memref<1x2048xi32, #tpu.memory_space<hbm>> -> memref<2048xi32, #tpu.memory_space<hbm>>
      tpu.enqueue_dma source(%dma_start3A_670 : memref<2048xi32, #tpu.memory_space<hbm>>) target(%arg8 : memref<2048xi32, #tpu.memory_space<vmem>>) target_semaphore(%run_scoped3A : memref<!tpu.dma_semaphore, #tpu.memory_space<semaphore_mem>>)
      %dma_wait3A_671 = arith.constant 0 : i32
      %dma_wait3A_672 = tpu.memref_slice %arg2[%select_n3A, %dma_wait3A_671] : memref<4x2048xi32, #tpu.memory_space<hbm>> -> memref<1x2048xi32, #tpu.memory_space<hbm>>
      %dma_wait3A_673 = tpu.memref_squeeze %dma_wait3A_672 : memref<1x2048xi32, #tpu.memory_space<hbm>> -> memref<2048xi32, #tpu.memory_space<hbm>>
      %dma_wait3A_674 = arith.constant 0 : i32
      %dma_wait3A_675 = tpu.memref_slice %arg2[%select_n3A, %dma_wait3A_674] : memref<4x2048xi32, #tpu.memory_space<hbm>> -> memref<1x2048xi32, #tpu.memory_space<hbm>>
      %dma_wait3A_676 = tpu.memref_squeeze %dma_wait3A_675 : memref<1x2048xi32, #tpu.memory_space<hbm>> -> memref<2048xi32, #tpu.memory_space<hbm>>
      tpu.wait_dma2 semaphore(%run_scoped3A : memref<!tpu.dma_semaphore, #tpu.memory_space<semaphore_mem>>) src(%dma_wait3A_676 : memref<2048xi32, #tpu.memory_space<hbm>>) dst(%arg8 : memref<2048xi32, #tpu.memory_space<vmem>>)
      tpu.yield
    }) : () -> ()
    "tpu.region"() ({
      %run_scoped3A = tpu.sem_alloc : memref<!tpu.dma_semaphore, #tpu.memory_space<semaphore_mem>>
      tpu.enqueue_dma source(%arg4 : memref<16xi32, #tpu.memory_space<hbm>>) target(%arg9 : memref<16xi32, #tpu.memory_space<vmem>>) target_semaphore(%run_scoped3A : memref<!tpu.dma_semaphore, #tpu.memory_space<semaphore_mem>>)
      tpu.wait_dma2 semaphore(%run_scoped3A : memref<!tpu.dma_semaphore, #tpu.memory_space<semaphore_mem>>) src(%arg4 : memref<16xi32, #tpu.memory_space<hbm>>) dst(%arg9 : memref<16xi32, #tpu.memory_space<vmem>>)
      tpu.yield
    }) : () -> ()
    %get3A = arith.constant 0 : index
    %get3A_33 = tpu.vector_load %arg9[%get3A] {strides = array<i32>} : memref<16xi32, #tpu.memory_space<vmem>>, vector<16xi32>,
    %get3A_34 = vector.shape_cast %get3A_33 : vector<16xi32> to vector<16xi32>
    %add3A_35 = arith.constant 0 : i32
    %add3A_36 = arith.addi %mul3A_32, %add3A_35 : i32
    %dma_start3A = tpu.memref_slice %arg8[%add3A_36] : memref<2048xi32, #tpu.memory_space<vmem>> -> memref<16xi32, #tpu.memory_space<vmem>>
    %dma_start3A_37 = arith.constant 0 : i32
    %dma_start3A_38 = arith.constant 0 : i32
    %dma_start3A_39 = tpu.memref_slice %arg5[%dma_start3A_37, %dma_start3A_38] : memref<100000x1024xf32, #tpu.memory_space<hbm>> -> memref<100000x1024xf32, #tpu.memory_space<hbm>>
    tpu.enqueue_indirect_dma source(%dma_start3A_39 : memref<100000x1024xf32, #tpu.memory_space<hbm>>) target(%arg11 : memref<16x1024xf32, #tpu.memory_space<vmem>>) offsets(%dma_start3A : memref<16xi32, #tpu.memory_space<vmem>>) semaphore(%arg19 : memref<!tpu.dma_semaphore, #tpu.memory_space<semaphore_mem>>)
    %add3A_40 = arith.constant 16 : i32
    %add3A_41 = arith.addi %mul3A_32, %add3A_40 : i32
    %dma_start3A_42 = tpu.memref_slice %arg8[%add3A_41] : memref<2048xi32, #tpu.memory_space<vmem>> -> memref<16xi32, #tpu.memory_space<vmem>>
    %dma_start3A_43 = arith.constant 0 : i32
    %dma_start3A_44 = arith.constant 0 : i32
    %dma_start3A_45 = tpu.memref_slice %arg5[%dma_start3A_43, %dma_start3A_44] : memref<100000x1024xf32, #tpu.memory_space<hbm>> -> memref<100000x1024xf32, #tpu.memory_space<hbm>>
    tpu.enqueue_indirect_dma source(%dma_start3A_45 : memref<100000x1024xf32, #tpu.memory_space<hbm>>) target(%arg12 : memref<16x1024xf32, #tpu.memory_space<vmem>>) offsets(%dma_start3A_42 : memref<16xi32, #tpu.memory_space<vmem>>) semaphore(%arg20 : memref<!tpu.dma_semaphore, #tpu.memory_space<semaphore_mem>>)
    %add3A_46 = arith.constant 32 : i32
    %add3A_47 = arith.addi %mul3A_32, %add3A_46 : i32
    %dma_start3A_48 = tpu.memref_slice %arg8[%add3A_47] : memref<2048xi32, #tpu.memory_space<vmem>> -> memref<16xi32, #tpu.memory_space<vmem>>
    %dma_start3A_49 = arith.constant 0 : i32
    %dma_start3A_50 = arith.constant 0 : i32
    %dma_start3A_51 = tpu.memref_slice %arg5[%dma_start3A_49, %dma_start3A_50] : memref<100000x1024xf32, #tpu.memory_space<hbm>> -> memref<100000x1024xf32, #tpu.memory_space<hbm>>
    tpu.enqueue_indirect_dma source(%dma_start3A_51 : memref<100000x1024xf32, #tpu.memory_space<hbm>>) target(%arg13 : memref<16x1024xf32, #tpu.memory_space<vmem>>) offsets(%dma_start3A_48 : memref<16xi32, #tpu.memory_space<vmem>>) semaphore(%arg21 : memref<!tpu.dma_semaphore, #tpu.memory_space<semaphore_mem>>)
    %add3A_52 = arith.constant 48 : i32
    %add3A_53 = arith.addi %mul3A_32, %add3A_52 : i32
    %dma_start3A_54 = tpu.memref_slice %arg8[%add3A_53] : memref<2048xi32, #tpu.memory_space<vmem>> -> memref<16xi32, #tpu.memory_space<vmem>>
    %dma_start3A_55 = arith.constant 0 : i32
    %dma_start3A_56 = arith.constant 0 : i32
    %dma_start3A_57 = tpu.memref_slice %arg5[%dma_start3A_55, %dma_start3A_56] : memref<100000x1024xf32, #tpu.memory_space<hbm>> -> memref<100000x1024xf32, #tpu.memory_space<hbm>>
    tpu.enqueue_indirect_dma source(%dma_start3A_57 : memref<100000x1024xf32, #tpu.memory_space<hbm>>) target(%arg14 : memref<16x1024xf32, #tpu.memory_space<vmem>>) offsets(%dma_start3A_54 : memref<16xi32, #tpu.memory_space<vmem>>) semaphore(%arg22 : memref<!tpu.dma_semaphore, #tpu.memory_space<semaphore_mem>>)
    %add3A_58 = arith.constant 64 : i32
    %add3A_59 = arith.addi %mul3A_32, %add3A_58 : i32
    %dma_start3A_60 = tpu.memref_slice %arg8[%add3A_59] : memref<2048xi32, #tpu.memory_space<vmem>> -> memref<16xi32, #tpu.memory_space<vmem>>
    %dma_start3A_61 = arith.constant 0 : i32
    %dma_start3A_62 = arith.constant 0 : i32
    %dma_start3A_63 = tpu.memref_slice %arg5[%dma_start3A_61, %dma_start3A_62] : memref<100000x1024xf32, #tpu.memory_space<hbm>> -> memref<100000x1024xf32, #tpu.memory_space<hbm>>
    tpu.enqueue_indirect_dma source(%dma_start3A_63 : memref<100000x1024xf32, #tpu.memory_space<hbm>>) target(%arg15 : memref<16x1024xf32, #tpu.memory_space<vmem>>) offsets(%dma_start3A_60 : memref<16xi32, #tpu.memory_space<vmem>>) semaphore(%arg23 : memref<!tpu.dma_semaphore, #tpu.memory_space<semaphore_mem>>)
    %broadcast_in_dim3A = arith.constant 2048 : i32
    %broadcast_in_dim3A_64 = vector.broadcast %broadcast_in_dim3A : i32 to vector<16xi32>
    %scan3A = arith.constant 0 : i32
    %scan3A_65 = arith.constant 128 : i32
    %scan3A_66 = arith.addi %scan3A, %scan3A_65 : i32
    %scan3A_67 = arith.constant 1 : i32
    %scan3A_68 = scf.for %scan3A_665 = %scan3A to %scan3A_66 step %scan3A_67 iter_args(%scan3A_666 = %broadcast_in_dim3A_64) -> (vector<16xi32>)  : i32 {
      %mul3A_667 = arith.constant 16 : i32
      %mul3A_668 = arith.muli %scan3A_665, %mul3A_667 : i32
      %get3A_669 = arith.index_cast %mul3A_668 : i32 to index
      %get3A_670 = tpu.vector_load %arg8[%get3A_669] {strides = array<i32>} : memref<2048xi32, #tpu.memory_space<vmem>>, vector<16xi32>,
      %get3A_671 = vector.shape_cast %get3A_670 : vector<16xi32> to vector<16xi32>
      %iota3A_672 = tpu.iota {dimensions = array<i32: 0>} : vector<16xi32>
      %mul3A_673 = arith.constant 16 : i32
      %mul3A_674 = arith.muli %scan3A_665, %mul3A_673 : i32
      %add3A_675 = vector.broadcast %mul3A_674 : i32 to vector<16xi32>
      %add3A_676 = arith.addi %iota3A_672, %add3A_675 : vector<16xi32>
      %eq3A_677 = arith.cmpi eq, %get3A_671, %get3A_34 : vector<16xi32>
      %jit3A_678 = arith.constant 2048 : i32
      %broadcast_in_dim3A_679 = vector.broadcast %jit3A_678 : i32 to vector<16xi32>
      %select_n3A_680 = arith.select %eq3A_677, %add3A_676, %broadcast_in_dim3A_679 : vector<16xi1>, vector<16xi32>
      %min3A_681 = arith.minsi %scan3A_666, %select_n3A_680 : vector<16xi32>
      scf.yield %min3A_681 : vector<16xi32>
    }
    %scan3A_69 = arith.constant 128 : i32
    %iota3A = tpu.iota {dimensions = array<i32: 0>} : vector<16xi32>
    %xor3A = arith.constant 1 : i32
    %xor3A_70 = vector.broadcast %xor3A : i32 to vector<16xi32>
    %xor3A_71 = arith.xori %iota3A, %xor3A_70 : vector<16xi32>
    %broadcast_in_dim3A_72 = vector.shape_cast %xor3A_71 : vector<16xi32> to vector<16x1xi32>
    %gather3A = vector.shape_cast %broadcast_in_dim3A_72 : vector<16x1xi32> to vector<16xi32>
    %gather3A_73 = tpu.dynamic_gather %scan3A_68[%gather3A] in [0] : vector<16xi32>, vector<16xi32> -> vector<16xi32>
    %min3A = arith.minsi %scan3A_68, %gather3A_73 : vector<16xi32>
    %iota3A_74 = tpu.iota {dimensions = array<i32: 0>} : vector<16xi32>
    %xor3A_75 = arith.constant 2 : i32
    %xor3A_76 = vector.broadcast %xor3A_75 : i32 to vector<16xi32>
    %xor3A_77 = arith.xori %iota3A_74, %xor3A_76 : vector<16xi32>
    %broadcast_in_dim3A_78 = vector.shape_cast %xor3A_77 : vector<16xi32> to vector<16x1xi32>
    %gather3A_79 = vector.shape_cast %broadcast_in_dim3A_78 : vector<16x1xi32> to vector<16xi32>
    %gather3A_80 = tpu.dynamic_gather %min3A[%gather3A_79] in [0] : vector<16xi32>, vector<16xi32> -> vector<16xi32>
    %min3A_81 = arith.minsi %min3A, %gather3A_80 : vector<16xi32>
    %iota3A_82 = tpu.iota {dimensions = array<i32: 0>} : vector<16xi32>
    %xor3A_83 = arith.constant 4 : i32
    %xor3A_84 = vector.broadcast %xor3A_83 : i32 to vector<16xi32>
    %xor3A_85 = arith.xori %iota3A_82, %xor3A_84 : vector<16xi32>
    %broadcast_in_dim3A_86 = vector.shape_cast %xor3A_85 : vector<16xi32> to vector<16x1xi32>
    %gather3A_87 = vector.shape_cast %broadcast_in_dim3A_86 : vector<16x1xi32> to vector<16xi32>
    %gather3A_88 = tpu.dynamic_gather %min3A_81[%gather3A_87] in [0] : vector<16xi32>, vector<16xi32> -> vector<16xi32>
    %min3A_89 = arith.minsi %min3A_81, %gather3A_88 : vector<16xi32>
    %iota3A_90 = tpu.iota {dimensions = array<i32: 0>} : vector<16xi32>
    %xor3A_91 = arith.constant 8 : i32
    %xor3A_92 = vector.broadcast %xor3A_91 : i32 to vector<16xi32>
    %xor3A_93 = arith.xori %iota3A_90, %xor3A_92 : vector<16xi32>
    %broadcast_in_dim3A_94 = vector.shape_cast %xor3A_93 : vector<16xi32> to vector<16x1xi32>
    %gather3A_95 = vector.shape_cast %broadcast_in_dim3A_94 : vector<16x1xi32> to vector<16xi32>
    %gather3A_96 = tpu.dynamic_gather %min3A_89[%gather3A_95] in [0] : vector<16xi32>, vector<16xi32> -> vector<16xi32>
    %min3A_97 = arith.minsi %min3A_89, %gather3A_96 : vector<16xi32>
    %slice3A = vector.extract_strided_slice %min3A_97 {offsets = [0], sizes = [1], strides = [1]} : vector<16xi32> to vector<1xi32>
    %squeeze3A = vector.extract %slice3A[0] : i32 from vector<1xi32>
    %le3A = arith.constant 1792 : i32
    %le3A_98 = arith.cmpi sle, %squeeze3A, %le3A : i32
    %iota3A_99 = tpu.iota {dimensions = array<i32: 0>} : vector<16xi32>
    %broadcast_in_dim3A_100 = arith.constant 1 : i32
    %broadcast_in_dim3A_101 = vector.broadcast %broadcast_in_dim3A_100 : i32 to vector<16xi32>
    %broadcast_in_dim3A_102 = arith.constant 0 : i32
    %broadcast_in_dim3A_103 = vector.broadcast %broadcast_in_dim3A_102 : i32 to vector<16xi32>
    %add3A_104 = arith.constant 0 : i32
    %add3A_105 = arith.addi %mul3A_32, %add3A_104 : i32
    %get3A_106 = arith.index_cast %add3A_105 : i32 to index
    %get3A_107 = tpu.vector_load %arg8[%get3A_106] {strides = array<i32>} : memref<2048xi32, #tpu.memory_space<vmem>>, vector<16xi32>,
    %get3A_108 = vector.shape_cast %get3A_107 : vector<16xi32> to vector<16xi32>
    %ne3A_109 = arith.constant -100 : i32
    %ne3A_110 = vector.broadcast %ne3A_109 : i32 to vector<16xi32>
    %ne3A_111 = arith.cmpi ne, %get3A_108, %ne3A_110 : vector<16xi32>
    %select_n3A_112 = arith.select %ne3A_111, %broadcast_in_dim3A_101, %broadcast_in_dim3A_103 : vector<16xi1>, vector<16xi32>
    %swap3A = arith.constant 0 : index
    %swap3A_113 = tpu.vector_load %arg10[%swap3A] {strides = array<i32>} : memref<256xi32, #tpu.memory_space<vmem>>, vector<16xi32>,
    %swap3A_114 = vector.shape_cast %swap3A_113 : vector<16xi32> to vector<16xi32>
    %swap3A_115 = vector.shape_cast %select_n3A_112 : vector<16xi32> to vector<16xi32>
    tpu.vector_store %arg10[%swap3A], %swap3A_115 {strides = array<i32>} : memref<256xi32, #tpu.memory_space<vmem>>, vector<16xi32>,
    %add3A_116 = arith.constant 16 : i32
    %add3A_117 = arith.addi %mul3A_32, %add3A_116 : i32
    %get3A_118 = arith.index_cast %add3A_117 : i32 to index
    %get3A_119 = tpu.vector_load %arg8[%get3A_118] {strides = array<i32>} : memref<2048xi32, #tpu.memory_space<vmem>>, vector<16xi32>,
    %get3A_120 = vector.shape_cast %get3A_119 : vector<16xi32> to vector<16xi32>
    %ne3A_121 = arith.constant -100 : i32
    %ne3A_122 = vector.broadcast %ne3A_121 : i32 to vector<16xi32>
    %ne3A_123 = arith.cmpi ne, %get3A_120, %ne3A_122 : vector<16xi32>
    %select_n3A_124 = arith.select %ne3A_123, %broadcast_in_dim3A_101, %broadcast_in_dim3A_103 : vector<16xi1>, vector<16xi32>
    %swap3A_125 = arith.constant 16 : index
    %swap3A_126 = tpu.vector_load %arg10[%swap3A_125] {strides = array<i32>} : memref<256xi32, #tpu.memory_space<vmem>>, vector<16xi32>,
    %swap3A_127 = vector.shape_cast %swap3A_126 : vector<16xi32> to vector<16xi32>
    %swap3A_128 = vector.shape_cast %select_n3A_124 : vector<16xi32> to vector<16xi32>
    tpu.vector_store %arg10[%swap3A_125], %swap3A_128 {strides = array<i32>} : memref<256xi32, #tpu.memory_space<vmem>>, vector<16xi32>,
    %add3A_129 = arith.constant 32 : i32
    %add3A_130 = arith.addi %mul3A_32, %add3A_129 : i32
    %get3A_131 = arith.index_cast %add3A_130 : i32 to index
    %get3A_132 = tpu.vector_load %arg8[%get3A_131] {strides = array<i32>} : memref<2048xi32, #tpu.memory_space<vmem>>, vector<16xi32>,
    %get3A_133 = vector.shape_cast %get3A_132 : vector<16xi32> to vector<16xi32>
    %ne3A_134 = arith.constant -100 : i32
    %ne3A_135 = vector.broadcast %ne3A_134 : i32 to vector<16xi32>
    %ne3A_136 = arith.cmpi ne, %get3A_133, %ne3A_135 : vector<16xi32>
    %select_n3A_137 = arith.select %ne3A_136, %broadcast_in_dim3A_101, %broadcast_in_dim3A_103 : vector<16xi1>, vector<16xi32>
    %swap3A_138 = arith.constant 32 : index
    %swap3A_139 = tpu.vector_load %arg10[%swap3A_138] {strides = array<i32>} : memref<256xi32, #tpu.memory_space<vmem>>, vector<16xi32>,
    %swap3A_140 = vector.shape_cast %swap3A_139 : vector<16xi32> to vector<16xi32>
    %swap3A_141 = vector.shape_cast %select_n3A_137 : vector<16xi32> to vector<16xi32>
    tpu.vector_store %arg10[%swap3A_138], %swap3A_141 {strides = array<i32>} : memref<256xi32, #tpu.memory_space<vmem>>, vector<16xi32>,
    %add3A_142 = arith.constant 48 : i32
    %add3A_143 = arith.addi %mul3A_32, %add3A_142 : i32
    %get3A_144 = arith.index_cast %add3A_143 : i32 to index
    %get3A_145 = tpu.vector_load %arg8[%get3A_144] {strides = array<i32>} : memref<2048xi32, #tpu.memory_space<vmem>>, vector<16xi32>,
    %get3A_146 = vector.shape_cast %get3A_145 : vector<16xi32> to vector<16xi32>
    %ne3A_147 = arith.constant -100 : i32
    %ne3A_148 = vector.broadcast %ne3A_147 : i32 to vector<16xi32>
    %ne3A_149 = arith.cmpi ne, %get3A_146, %ne3A_148 : vector<16xi32>
    %select_n3A_150 = arith.select %ne3A_149, %broadcast_in_dim3A_101, %broadcast_in_dim3A_103 : vector<16xi1>, vector<16xi32>
    %swap3A_151 = arith.constant 48 : index
    %swap3A_152 = tpu.vector_load %arg10[%swap3A_151] {strides = array<i32>} : memref<256xi32, #tpu.memory_space<vmem>>, vector<16xi32>,
    %swap3A_153 = vector.shape_cast %swap3A_152 : vector<16xi32> to vector<16xi32>
    %swap3A_154 = vector.shape_cast %select_n3A_150 : vector<16xi32> to vector<16xi32>
    tpu.vector_store %arg10[%swap3A_151], %swap3A_154 {strides = array<i32>} : memref<256xi32, #tpu.memory_space<vmem>>, vector<16xi32>,
    %add3A_155 = arith.constant 64 : i32
    %add3A_156 = arith.addi %mul3A_32, %add3A_155 : i32
    %get3A_157 = arith.index_cast %add3A_156 : i32 to index
    %get3A_158 = tpu.vector_load %arg8[%get3A_157] {strides = array<i32>} : memref<2048xi32, #tpu.memory_space<vmem>>, vector<16xi32>,
    %get3A_159 = vector.shape_cast %get3A_158 : vector<16xi32> to vector<16xi32>
    %ne3A_160 = arith.constant -100 : i32
    %ne3A_161 = vector.broadcast %ne3A_160 : i32 to vector<16xi32>
    %ne3A_162 = arith.cmpi ne, %get3A_159, %ne3A_161 : vector<16xi32>
    %select_n3A_163 = arith.select %ne3A_162, %broadcast_in_dim3A_101, %broadcast_in_dim3A_103 : vector<16xi1>, vector<16xi32>
    %swap3A_164 = arith.constant 64 : index
    %swap3A_165 = tpu.vector_load %arg10[%swap3A_164] {strides = array<i32>} : memref<256xi32, #tpu.memory_space<vmem>>, vector<16xi32>,
    %swap3A_166 = vector.shape_cast %swap3A_165 : vector<16xi32> to vector<16xi32>
    %swap3A_167 = vector.shape_cast %select_n3A_163 : vector<16xi32> to vector<16xi32>
    tpu.vector_store %arg10[%swap3A_164], %swap3A_167 {strides = array<i32>} : memref<256xi32, #tpu.memory_space<vmem>>, vector<16xi32>,
    %add3A_168 = arith.constant 80 : i32
    %add3A_169 = arith.addi %mul3A_32, %add3A_168 : i32
    %get3A_170 = arith.index_cast %add3A_169 : i32 to index
    %get3A_171 = tpu.vector_load %arg8[%get3A_170] {strides = array<i32>} : memref<2048xi32, #tpu.memory_space<vmem>>, vector<16xi32>,
    %get3A_172 = vector.shape_cast %get3A_171 : vector<16xi32> to vector<16xi32>
    %ne3A_173 = arith.constant -100 : i32
    %ne3A_174 = vector.broadcast %ne3A_173 : i32 to vector<16xi32>
    %ne3A_175 = arith.cmpi ne, %get3A_172, %ne3A_174 : vector<16xi32>
    %select_n3A_176 = arith.select %ne3A_175, %broadcast_in_dim3A_101, %broadcast_in_dim3A_103 : vector<16xi1>, vector<16xi32>
    %swap3A_177 = arith.constant 80 : index
    %swap3A_178 = tpu.vector_load %arg10[%swap3A_177] {strides = array<i32>} : memref<256xi32, #tpu.memory_space<vmem>>, vector<16xi32>,
    %swap3A_179 = vector.shape_cast %swap3A_178 : vector<16xi32> to vector<16xi32>
    %swap3A_180 = vector.shape_cast %select_n3A_176 : vector<16xi32> to vector<16xi32>
    tpu.vector_store %arg10[%swap3A_177], %swap3A_180 {strides = array<i32>} : memref<256xi32, #tpu.memory_space<vmem>>, vector<16xi32>,
    %add3A_181 = arith.constant 96 : i32
    %add3A_182 = arith.addi %mul3A_32, %add3A_181 : i32
    %get3A_183 = arith.index_cast %add3A_182 : i32 to index
    %get3A_184 = tpu.vector_load %arg8[%get3A_183] {strides = array<i32>} : memref<2048xi32, #tpu.memory_space<vmem>>, vector<16xi32>,
    %get3A_185 = vector.shape_cast %get3A_184 : vector<16xi32> to vector<16xi32>
    %ne3A_186 = arith.constant -100 : i32
    %ne3A_187 = vector.broadcast %ne3A_186 : i32 to vector<16xi32>
    %ne3A_188 = arith.cmpi ne, %get3A_185, %ne3A_187 : vector<16xi32>
    %select_n3A_189 = arith.select %ne3A_188, %broadcast_in_dim3A_101, %broadcast_in_dim3A_103 : vector<16xi1>, vector<16xi32>
    %swap3A_190 = arith.constant 96 : index
    %swap3A_191 = tpu.vector_load %arg10[%swap3A_190] {strides = array<i32>} : memref<256xi32, #tpu.memory_space<vmem>>, vector<16xi32>,
    %swap3A_192 = vector.shape_cast %swap3A_191 : vector<16xi32> to vector<16xi32>
    %swap3A_193 = vector.shape_cast %select_n3A_189 : vector<16xi32> to vector<16xi32>
    tpu.vector_store %arg10[%swap3A_190], %swap3A_193 {strides = array<i32>} : memref<256xi32, #tpu.memory_space<vmem>>, vector<16xi32>,
    %add3A_194 = arith.constant 112 : i32
    %add3A_195 = arith.addi %mul3A_32, %add3A_194 : i32
    %get3A_196 = arith.index_cast %add3A_195 : i32 to index
    %get3A_197 = tpu.vector_load %arg8[%get3A_196] {strides = array<i32>} : memref<2048xi32, #tpu.memory_space<vmem>>, vector<16xi32>,
    %get3A_198 = vector.shape_cast %get3A_197 : vector<16xi32> to vector<16xi32>
    %ne3A_199 = arith.constant -100 : i32
    %ne3A_200 = vector.broadcast %ne3A_199 : i32 to vector<16xi32>
    %ne3A_201 = arith.cmpi ne, %get3A_198, %ne3A_200 : vector<16xi32>
    %select_n3A_202 = arith.select %ne3A_201, %broadcast_in_dim3A_101, %broadcast_in_dim3A_103 : vector<16xi1>, vector<16xi32>
    %swap3A_203 = arith.constant 112 : index
    %swap3A_204 = tpu.vector_load %arg10[%swap3A_203] {strides = array<i32>} : memref<256xi32, #tpu.memory_space<vmem>>, vector<16xi32>,
    %swap3A_205 = vector.shape_cast %swap3A_204 : vector<16xi32> to vector<16xi32>
    %swap3A_206 = vector.shape_cast %select_n3A_202 : vector<16xi32> to vector<16xi32>
    tpu.vector_store %arg10[%swap3A_203], %swap3A_206 {strides = array<i32>} : memref<256xi32, #tpu.memory_space<vmem>>, vector<16xi32>,
    %add3A_207 = arith.constant 128 : i32
    %add3A_208 = arith.addi %mul3A_32, %add3A_207 : i32
    %get3A_209 = arith.index_cast %add3A_208 : i32 to index
    %get3A_210 = tpu.vector_load %arg8[%get3A_209] {strides = array<i32>} : memref<2048xi32, #tpu.memory_space<vmem>>, vector<16xi32>,
    %get3A_211 = vector.shape_cast %get3A_210 : vector<16xi32> to vector<16xi32>
    %ne3A_212 = arith.constant -100 : i32
    %ne3A_213 = vector.broadcast %ne3A_212 : i32 to vector<16xi32>
    %ne3A_214 = arith.cmpi ne, %get3A_211, %ne3A_213 : vector<16xi32>
    %select_n3A_215 = arith.select %ne3A_214, %broadcast_in_dim3A_101, %broadcast_in_dim3A_103 : vector<16xi1>, vector<16xi32>
    %swap3A_216 = arith.constant 128 : index
    %swap3A_217 = tpu.vector_load %arg10[%swap3A_216] {strides = array<i32>} : memref<256xi32, #tpu.memory_space<vmem>>, vector<16xi32>,
    %swap3A_218 = vector.shape_cast %swap3A_217 : vector<16xi32> to vector<16xi32>
    %swap3A_219 = vector.shape_cast %select_n3A_215 : vector<16xi32> to vector<16xi32>
    tpu.vector_store %arg10[%swap3A_216], %swap3A_219 {strides = array<i32>} : memref<256xi32, #tpu.memory_space<vmem>>, vector<16xi32>,
    %add3A_220 = arith.constant 144 : i32
    %add3A_221 = arith.addi %mul3A_32, %add3A_220 : i32
    %get3A_222 = arith.index_cast %add3A_221 : i32 to index
    %get3A_223 = tpu.vector_load %arg8[%get3A_222] {strides = array<i32>} : memref<2048xi32, #tpu.memory_space<vmem>>, vector<16xi32>,
    %get3A_224 = vector.shape_cast %get3A_223 : vector<16xi32> to vector<16xi32>
    %ne3A_225 = arith.constant -100 : i32
    %ne3A_226 = vector.broadcast %ne3A_225 : i32 to vector<16xi32>
    %ne3A_227 = arith.cmpi ne, %get3A_224, %ne3A_226 : vector<16xi32>
    %select_n3A_228 = arith.select %ne3A_227, %broadcast_in_dim3A_101, %broadcast_in_dim3A_103 : vector<16xi1>, vector<16xi32>
    %swap3A_229 = arith.constant 144 : index
    %swap3A_230 = tpu.vector_load %arg10[%swap3A_229] {strides = array<i32>} : memref<256xi32, #tpu.memory_space<vmem>>, vector<16xi32>,
    %swap3A_231 = vector.shape_cast %swap3A_230 : vector<16xi32> to vector<16xi32>
    %swap3A_232 = vector.shape_cast %select_n3A_228 : vector<16xi32> to vector<16xi32>
    tpu.vector_store %arg10[%swap3A_229], %swap3A_232 {strides = array<i32>} : memref<256xi32, #tpu.memory_space<vmem>>, vector<16xi32>,
    %add3A_233 = arith.constant 160 : i32
    %add3A_234 = arith.addi %mul3A_32, %add3A_233 : i32
    %get3A_235 = arith.index_cast %add3A_234 : i32 to index
    %get3A_236 = tpu.vector_load %arg8[%get3A_235] {strides = array<i32>} : memref<2048xi32, #tpu.memory_space<vmem>>, vector<16xi32>,
    %get3A_237 = vector.shape_cast %get3A_236 : vector<16xi32> to vector<16xi32>
    %ne3A_238 = arith.constant -100 : i32
    %ne3A_239 = vector.broadcast %ne3A_238 : i32 to vector<16xi32>
    %ne3A_240 = arith.cmpi ne, %get3A_237, %ne3A_239 : vector<16xi32>
    %select_n3A_241 = arith.select %ne3A_240, %broadcast_in_dim3A_101, %broadcast_in_dim3A_103 : vector<16xi1>, vector<16xi32>
    %swap3A_242 = arith.constant 160 : index
    %swap3A_243 = tpu.vector_load %arg10[%swap3A_242] {strides = array<i32>} : memref<256xi32, #tpu.memory_space<vmem>>, vector<16xi32>,
    %swap3A_244 = vector.shape_cast %swap3A_243 : vector<16xi32> to vector<16xi32>
    %swap3A_245 = vector.shape_cast %select_n3A_241 : vector<16xi32> to vector<16xi32>
    tpu.vector_store %arg10[%swap3A_242], %swap3A_245 {strides = array<i32>} : memref<256xi32, #tpu.memory_space<vmem>>, vector<16xi32>,
    %add3A_246 = arith.constant 176 : i32
    %add3A_247 = arith.addi %mul3A_32, %add3A_246 : i32
    %get3A_248 = arith.index_cast %add3A_247 : i32 to index
    %get3A_249 = tpu.vector_load %arg8[%get3A_248] {strides = array<i32>} : memref<2048xi32, #tpu.memory_space<vmem>>, vector<16xi32>,
    %get3A_250 = vector.shape_cast %get3A_249 : vector<16xi32> to vector<16xi32>
    %ne3A_251 = arith.constant -100 : i32
    %ne3A_252 = vector.broadcast %ne3A_251 : i32 to vector<16xi32>
    %ne3A_253 = arith.cmpi ne, %get3A_250, %ne3A_252 : vector<16xi32>
    %select_n3A_254 = arith.select %ne3A_253, %broadcast_in_dim3A_101, %broadcast_in_dim3A_103 : vector<16xi1>, vector<16xi32>
    %swap3A_255 = arith.constant 176 : index
    %swap3A_256 = tpu.vector_load %arg10[%swap3A_255] {strides = array<i32>} : memref<256xi32, #tpu.memory_space<vmem>>, vector<16xi32>,
    %swap3A_257 = vector.shape_cast %swap3A_256 : vector<16xi32> to vector<16xi32>
    %swap3A_258 = vector.shape_cast %select_n3A_254 : vector<16xi32> to vector<16xi32>
    tpu.vector_store %arg10[%swap3A_255], %swap3A_258 {strides = array<i32>} : memref<256xi32, #tpu.memory_space<vmem>>, vector<16xi32>,
    %add3A_259 = arith.constant 192 : i32
    %add3A_260 = arith.addi %mul3A_32, %add3A_259 : i32
    %get3A_261 = arith.index_cast %add3A_260 : i32 to index
    %get3A_262 = tpu.vector_load %arg8[%get3A_261] {strides = array<i32>} : memref<2048xi32, #tpu.memory_space<vmem>>, vector<16xi32>,
    %get3A_263 = vector.shape_cast %get3A_262 : vector<16xi32> to vector<16xi32>
    %ne3A_264 = arith.constant -100 : i32
    %ne3A_265 = vector.broadcast %ne3A_264 : i32 to vector<16xi32>
    %ne3A_266 = arith.cmpi ne, %get3A_263, %ne3A_265 : vector<16xi32>
    %select_n3A_267 = arith.select %ne3A_266, %broadcast_in_dim3A_101, %broadcast_in_dim3A_103 : vector<16xi1>, vector<16xi32>
    %swap3A_268 = arith.constant 192 : index
    %swap3A_269 = tpu.vector_load %arg10[%swap3A_268] {strides = array<i32>} : memref<256xi32, #tpu.memory_space<vmem>>, vector<16xi32>,
    %swap3A_270 = vector.shape_cast %swap3A_269 : vector<16xi32> to vector<16xi32>
    %swap3A_271 = vector.shape_cast %select_n3A_267 : vector<16xi32> to vector<16xi32>
    tpu.vector_store %arg10[%swap3A_268], %swap3A_271 {strides = array<i32>} : memref<256xi32, #tpu.memory_space<vmem>>, vector<16xi32>,
    %add3A_272 = arith.constant 208 : i32
    %add3A_273 = arith.addi %mul3A_32, %add3A_272 : i32
    %get3A_274 = arith.index_cast %add3A_273 : i32 to index
    %get3A_275 = tpu.vector_load %arg8[%get3A_274] {strides = array<i32>} : memref<2048xi32, #tpu.memory_space<vmem>>, vector<16xi32>,
    %get3A_276 = vector.shape_cast %get3A_275 : vector<16xi32> to vector<16xi32>
    %ne3A_277 = arith.constant -100 : i32
    %ne3A_278 = vector.broadcast %ne3A_277 : i32 to vector<16xi32>
    %ne3A_279 = arith.cmpi ne, %get3A_276, %ne3A_278 : vector<16xi32>
    %select_n3A_280 = arith.select %ne3A_279, %broadcast_in_dim3A_101, %broadcast_in_dim3A_103 : vector<16xi1>, vector<16xi32>
    %swap3A_281 = arith.constant 208 : index
    %swap3A_282 = tpu.vector_load %arg10[%swap3A_281] {strides = array<i32>} : memref<256xi32, #tpu.memory_space<vmem>>, vector<16xi32>,
    %swap3A_283 = vector.shape_cast %swap3A_282 : vector<16xi32> to vector<16xi32>
    %swap3A_284 = vector.shape_cast %select_n3A_280 : vector<16xi32> to vector<16xi32>
    tpu.vector_store %arg10[%swap3A_281], %swap3A_284 {strides = array<i32>} : memref<256xi32, #tpu.memory_space<vmem>>, vector<16xi32>,
    %add3A_285 = arith.constant 224 : i32
    %add3A_286 = arith.addi %mul3A_32, %add3A_285 : i32
    %get3A_287 = arith.index_cast %add3A_286 : i32 to index
    %get3A_288 = tpu.vector_load %arg8[%get3A_287] {strides = array<i32>} : memref<2048xi32, #tpu.memory_space<vmem>>, vector<16xi32>,
    %get3A_289 = vector.shape_cast %get3A_288 : vector<16xi32> to vector<16xi32>
    %ne3A_290 = arith.constant -100 : i32
    %ne3A_291 = vector.broadcast %ne3A_290 : i32 to vector<16xi32>
    %ne3A_292 = arith.cmpi ne, %get3A_289, %ne3A_291 : vector<16xi32>
    %select_n3A_293 = arith.select %ne3A_292, %broadcast_in_dim3A_101, %broadcast_in_dim3A_103 : vector<16xi1>, vector<16xi32>
    %swap3A_294 = arith.constant 224 : index
    %swap3A_295 = tpu.vector_load %arg10[%swap3A_294] {strides = array<i32>} : memref<256xi32, #tpu.memory_space<vmem>>, vector<16xi32>,
    %swap3A_296 = vector.shape_cast %swap3A_295 : vector<16xi32> to vector<16xi32>
    %swap3A_297 = vector.shape_cast %select_n3A_293 : vector<16xi32> to vector<16xi32>
    tpu.vector_store %arg10[%swap3A_294], %swap3A_297 {strides = array<i32>} : memref<256xi32, #tpu.memory_space<vmem>>, vector<16xi32>,
    %add3A_298 = arith.constant 240 : i32
    %add3A_299 = arith.addi %mul3A_32, %add3A_298 : i32
    %get3A_300 = arith.index_cast %add3A_299 : i32 to index
    %get3A_301 = tpu.vector_load %arg8[%get3A_300] {strides = array<i32>} : memref<2048xi32, #tpu.memory_space<vmem>>, vector<16xi32>,
    %get3A_302 = vector.shape_cast %get3A_301 : vector<16xi32> to vector<16xi32>
    %ne3A_303 = arith.constant -100 : i32
    %ne3A_304 = vector.broadcast %ne3A_303 : i32 to vector<16xi32>
    %ne3A_305 = arith.cmpi ne, %get3A_302, %ne3A_304 : vector<16xi32>
    %select_n3A_306 = arith.select %ne3A_305, %broadcast_in_dim3A_101, %broadcast_in_dim3A_103 : vector<16xi1>, vector<16xi32>
    %swap3A_307 = arith.constant 240 : index
    %swap3A_308 = tpu.vector_load %arg10[%swap3A_307] {strides = array<i32>} : memref<256xi32, #tpu.memory_space<vmem>>, vector<16xi32>,
    %swap3A_309 = vector.shape_cast %swap3A_308 : vector<16xi32> to vector<16xi32>
    %swap3A_310 = vector.shape_cast %select_n3A_306 : vector<16xi32> to vector<16xi32>
    tpu.vector_store %arg10[%swap3A_307], %swap3A_310 {strides = array<i32>} : memref<256xi32, #tpu.memory_space<vmem>>, vector<16xi32>,
    "tpu.region"() ({
      %run_scoped3A = tpu.sem_alloc : memref<!tpu.dma_semaphore, #tpu.memory_space<semaphore_mem>>
      %dma_start3A_665 = tpu.memref_slice %arg7[%select_n3A, %mul3A_32] : memref<4x2048xi32, #tpu.memory_space<hbm>> -> memref<1x256xi32, #tpu.memory_space<hbm>>
      %dma_start3A_666 = tpu.memref_squeeze %dma_start3A_665 : memref<1x256xi32, #tpu.memory_space<hbm>> -> memref<256xi32, #tpu.memory_space<hbm>>
      %dma_start3A_667 = tpu.memref_slice %arg7[%select_n3A, %mul3A_32] : memref<4x2048xi32, #tpu.memory_space<hbm>> -> memref<1x256xi32, #tpu.memory_space<hbm>>
      %dma_start3A_668 = tpu.memref_squeeze %dma_start3A_667 : memref<1x256xi32, #tpu.memory_space<hbm>> -> memref<256xi32, #tpu.memory_space<hbm>>
      tpu.enqueue_dma source(%arg10 : memref<256xi32, #tpu.memory_space<vmem>>) target(%dma_start3A_668 : memref<256xi32, #tpu.memory_space<hbm>>) target_semaphore(%run_scoped3A : memref<!tpu.dma_semaphore, #tpu.memory_space<semaphore_mem>>)
      %dma_wait3A_669 = tpu.memref_slice %arg7[%select_n3A, %mul3A_32] : memref<4x2048xi32, #tpu.memory_space<hbm>> -> memref<1x256xi32, #tpu.memory_space<hbm>>
      %dma_wait3A_670 = tpu.memref_squeeze %dma_wait3A_669 : memref<1x256xi32, #tpu.memory_space<hbm>> -> memref<256xi32, #tpu.memory_space<hbm>>
      %dma_wait3A_671 = tpu.memref_slice %arg7[%select_n3A, %mul3A_32] : memref<4x2048xi32, #tpu.memory_space<hbm>> -> memref<1x256xi32, #tpu.memory_space<hbm>>
      %dma_wait3A_672 = tpu.memref_squeeze %dma_wait3A_671 : memref<1x256xi32, #tpu.memory_space<hbm>> -> memref<256xi32, #tpu.memory_space<hbm>>
      tpu.wait_dma2 semaphore(%run_scoped3A : memref<!tpu.dma_semaphore, #tpu.memory_space<semaphore_mem>>) src(%arg10 : memref<256xi32, #tpu.memory_space<vmem>>) dst(%dma_wait3A_672 : memref<256xi32, #tpu.memory_space<hbm>>)
      tpu.yield
    }) : () -> ()
    %dma_wait3A = tpu.memref_slice %arg8[%add3A_36] : memref<2048xi32, #tpu.memory_space<vmem>> -> memref<16xi32, #tpu.memory_space<vmem>>
    %dma_wait3A_311 = arith.constant 0 : i32
    %dma_wait3A_312 = arith.constant 0 : i32
    %dma_wait3A_313 = tpu.memref_slice %arg5[%dma_wait3A_311, %dma_wait3A_312] : memref<100000x1024xf32, #tpu.memory_space<hbm>> -> memref<100000x1024xf32, #tpu.memory_space<hbm>>
    tpu.wait_indirect_dma semaphore(%arg19 : memref<!tpu.dma_semaphore, #tpu.memory_space<semaphore_mem>>) src(%dma_wait3A_313 : memref<100000x1024xf32, #tpu.memory_space<hbm>>) dst(%arg11 : memref<16x1024xf32, #tpu.memory_space<vmem>>)
    %add3A_314 = arith.constant 0 : i32
    %add3A_315 = arith.addi %mul3A_32, %add3A_314 : i32
    %dma_start3A_316 = arith.constant 0 : i32
    %dma_start3A_317 = tpu.memref_slice %arg6[%select_n3A, %add3A_315, %dma_start3A_316] : memref<4x2048x1024xf32, #tpu.memory_space<hbm>> -> memref<1x16x1024xf32, #tpu.memory_space<hbm>>
    %dma_start3A_318 = tpu.memref_squeeze %dma_start3A_317 : memref<1x16x1024xf32, #tpu.memory_space<hbm>> -> memref<16x1024xf32, #tpu.memory_space<hbm>>
    %dma_start3A_319 = arith.constant 0 : i32
    %dma_start3A_320 = tpu.memref_slice %arg6[%select_n3A, %add3A_315, %dma_start3A_319] : memref<4x2048x1024xf32, #tpu.memory_space<hbm>> -> memref<1x16x1024xf32, #tpu.memory_space<hbm>>
    %dma_start3A_321 = tpu.memref_squeeze %dma_start3A_320 : memref<1x16x1024xf32, #tpu.memory_space<hbm>> -> memref<16x1024xf32, #tpu.memory_space<hbm>>
    tpu.enqueue_dma source(%arg11 : memref<16x1024xf32, #tpu.memory_space<vmem>>) target(%dma_start3A_321 : memref<16x1024xf32, #tpu.memory_space<hbm>>) target_semaphore(%arg25 : memref<!tpu.dma_semaphore, #tpu.memory_space<semaphore_mem>>)
    %add3A_322 = arith.constant 80 : i32
    %add3A_323 = arith.addi %mul3A_32, %add3A_322 : i32
    %dma_start3A_324 = tpu.memref_slice %arg8[%add3A_323] : memref<2048xi32, #tpu.memory_space<vmem>> -> memref<16xi32, #tpu.memory_space<vmem>>
    %dma_start3A_325 = arith.constant 0 : i32
    %dma_start3A_326 = arith.constant 0 : i32
    %dma_start3A_327 = tpu.memref_slice %arg5[%dma_start3A_325, %dma_start3A_326] : memref<100000x1024xf32, #tpu.memory_space<hbm>> -> memref<100000x1024xf32, #tpu.memory_space<hbm>>
    tpu.enqueue_indirect_dma source(%dma_start3A_327 : memref<100000x1024xf32, #tpu.memory_space<hbm>>) target(%arg16 : memref<16x1024xf32, #tpu.memory_space<vmem>>) offsets(%dma_start3A_324 : memref<16xi32, #tpu.memory_space<vmem>>) semaphore(%arg24 : memref<!tpu.dma_semaphore, #tpu.memory_space<semaphore_mem>>)
    %dma_wait3A_328 = tpu.memref_slice %arg8[%add3A_41] : memref<2048xi32, #tpu.memory_space<vmem>> -> memref<16xi32, #tpu.memory_space<vmem>>
    %dma_wait3A_329 = arith.constant 0 : i32
    %dma_wait3A_330 = arith.constant 0 : i32
    %dma_wait3A_331 = tpu.memref_slice %arg5[%dma_wait3A_329, %dma_wait3A_330] : memref<100000x1024xf32, #tpu.memory_space<hbm>> -> memref<100000x1024xf32, #tpu.memory_space<hbm>>
    tpu.wait_indirect_dma semaphore(%arg20 : memref<!tpu.dma_semaphore, #tpu.memory_space<semaphore_mem>>) src(%dma_wait3A_331 : memref<100000x1024xf32, #tpu.memory_space<hbm>>) dst(%arg12 : memref<16x1024xf32, #tpu.memory_space<vmem>>)
    %add3A_332 = arith.constant 16 : i32
    %add3A_333 = arith.addi %mul3A_32, %add3A_332 : i32
    %dma_start3A_334 = arith.constant 0 : i32
    %dma_start3A_335 = tpu.memref_slice %arg6[%select_n3A, %add3A_333, %dma_start3A_334] : memref<4x2048x1024xf32, #tpu.memory_space<hbm>> -> memref<1x16x1024xf32, #tpu.memory_space<hbm>>
    %dma_start3A_336 = tpu.memref_squeeze %dma_start3A_335 : memref<1x16x1024xf32, #tpu.memory_space<hbm>> -> memref<16x1024xf32, #tpu.memory_space<hbm>>
    %dma_start3A_337 = arith.constant 0 : i32
    %dma_start3A_338 = tpu.memref_slice %arg6[%select_n3A, %add3A_333, %dma_start3A_337] : memref<4x2048x1024xf32, #tpu.memory_space<hbm>> -> memref<1x16x1024xf32, #tpu.memory_space<hbm>>
    %dma_start3A_339 = tpu.memref_squeeze %dma_start3A_338 : memref<1x16x1024xf32, #tpu.memory_space<hbm>> -> memref<16x1024xf32, #tpu.memory_space<hbm>>
    tpu.enqueue_dma source(%arg12 : memref<16x1024xf32, #tpu.memory_space<vmem>>) target(%dma_start3A_339 : memref<16x1024xf32, #tpu.memory_space<hbm>>) target_semaphore(%arg26 : memref<!tpu.dma_semaphore, #tpu.memory_space<semaphore_mem>>)
    %dma_wait3A_340 = arith.constant 0 : i32
    %dma_wait3A_341 = tpu.memref_slice %arg6[%select_n3A, %add3A_315, %dma_wait3A_340] : memref<4x2048x1024xf32, #tpu.memory_space<hbm>> -> memref<1x16x1024xf32, #tpu.memory_space<hbm>>
    %dma_wait3A_342 = tpu.memref_squeeze %dma_wait3A_341 : memref<1x16x1024xf32, #tpu.memory_space<hbm>> -> memref<16x1024xf32, #tpu.memory_space<hbm>>
    %dma_wait3A_343 = arith.constant 0 : i32
    %dma_wait3A_344 = tpu.memref_slice %arg6[%select_n3A, %add3A_315, %dma_wait3A_343] : memref<4x2048x1024xf32, #tpu.memory_space<hbm>> -> memref<1x16x1024xf32, #tpu.memory_space<hbm>>
    %dma_wait3A_345 = tpu.memref_squeeze %dma_wait3A_344 : memref<1x16x1024xf32, #tpu.memory_space<hbm>> -> memref<16x1024xf32, #tpu.memory_space<hbm>>
    tpu.wait_dma2 semaphore(%arg25 : memref<!tpu.dma_semaphore, #tpu.memory_space<semaphore_mem>>) src(%arg11 : memref<16x1024xf32, #tpu.memory_space<vmem>>) dst(%dma_wait3A_345 : memref<16x1024xf32, #tpu.memory_space<hbm>>)
    %add3A_346 = arith.constant 96 : i32
    %add3A_347 = arith.addi %mul3A_32, %add3A_346 : i32
    %dma_start3A_348 = tpu.memref_slice %arg8[%add3A_347] : memref<2048xi32, #tpu.memory_space<vmem>> -> memref<16xi32, #tpu.memory_space<vmem>>
    %dma_start3A_349 = arith.constant 0 : i32
    %dma_start3A_350 = arith.constant 0 : i32
    %dma_start3A_351 = tpu.memref_slice %arg5[%dma_start3A_349, %dma_start3A_350] : memref<100000x1024xf32, #tpu.memory_space<hbm>> -> memref<100000x1024xf32, #tpu.memory_space<hbm>>
    tpu.enqueue_indirect_dma source(%dma_start3A_351 : memref<100000x1024xf32, #tpu.memory_space<hbm>>) target(%arg11 : memref<16x1024xf32, #tpu.memory_space<vmem>>) offsets(%dma_start3A_348 : memref<16xi32, #tpu.memory_space<vmem>>) semaphore(%arg19 : memref<!tpu.dma_semaphore, #tpu.memory_space<semaphore_mem>>)
    %dma_wait3A_352 = tpu.memref_slice %arg8[%add3A_47] : memref<2048xi32, #tpu.memory_space<vmem>> -> memref<16xi32, #tpu.memory_space<vmem>>
    %dma_wait3A_353 = arith.constant 0 : i32
    %dma_wait3A_354 = arith.constant 0 : i32
    %dma_wait3A_355 = tpu.memref_slice %arg5[%dma_wait3A_353, %dma_wait3A_354] : memref<100000x1024xf32, #tpu.memory_space<hbm>> -> memref<100000x1024xf32, #tpu.memory_space<hbm>>
    tpu.wait_indirect_dma semaphore(%arg21 : memref<!tpu.dma_semaphore, #tpu.memory_space<semaphore_mem>>) src(%dma_wait3A_355 : memref<100000x1024xf32, #tpu.memory_space<hbm>>) dst(%arg13 : memref<16x1024xf32, #tpu.memory_space<vmem>>)
    %add3A_356 = arith.constant 32 : i32
    %add3A_357 = arith.addi %mul3A_32, %add3A_356 : i32
    %dma_start3A_358 = arith.constant 0 : i32
    %dma_start3A_359 = tpu.memref_slice %arg6[%select_n3A, %add3A_357, %dma_start3A_358] : memref<4x2048x1024xf32, #tpu.memory_space<hbm>> -> memref<1x16x1024xf32, #tpu.memory_space<hbm>>
    %dma_start3A_360 = tpu.memref_squeeze %dma_start3A_359 : memref<1x16x1024xf32, #tpu.memory_space<hbm>> -> memref<16x1024xf32, #tpu.memory_space<hbm>>
    %dma_start3A_361 = arith.constant 0 : i32
    %dma_start3A_362 = tpu.memref_slice %arg6[%select_n3A, %add3A_357, %dma_start3A_361] : memref<4x2048x1024xf32, #tpu.memory_space<hbm>> -> memref<1x16x1024xf32, #tpu.memory_space<hbm>>
    %dma_start3A_363 = tpu.memref_squeeze %dma_start3A_362 : memref<1x16x1024xf32, #tpu.memory_space<hbm>> -> memref<16x1024xf32, #tpu.memory_space<hbm>>
    tpu.enqueue_dma source(%arg13 : memref<16x1024xf32, #tpu.memory_space<vmem>>) target(%dma_start3A_363 : memref<16x1024xf32, #tpu.memory_space<hbm>>) target_semaphore(%arg27 : memref<!tpu.dma_semaphore, #tpu.memory_space<semaphore_mem>>)
    %dma_wait3A_364 = arith.constant 0 : i32
    %dma_wait3A_365 = tpu.memref_slice %arg6[%select_n3A, %add3A_333, %dma_wait3A_364] : memref<4x2048x1024xf32, #tpu.memory_space<hbm>> -> memref<1x16x1024xf32, #tpu.memory_space<hbm>>
    %dma_wait3A_366 = tpu.memref_squeeze %dma_wait3A_365 : memref<1x16x1024xf32, #tpu.memory_space<hbm>> -> memref<16x1024xf32, #tpu.memory_space<hbm>>
    %dma_wait3A_367 = arith.constant 0 : i32
    %dma_wait3A_368 = tpu.memref_slice %arg6[%select_n3A, %add3A_333, %dma_wait3A_367] : memref<4x2048x1024xf32, #tpu.memory_space<hbm>> -> memref<1x16x1024xf32, #tpu.memory_space<hbm>>
    %dma_wait3A_369 = tpu.memref_squeeze %dma_wait3A_368 : memref<1x16x1024xf32, #tpu.memory_space<hbm>> -> memref<16x1024xf32, #tpu.memory_space<hbm>>
    tpu.wait_dma2 semaphore(%arg26 : memref<!tpu.dma_semaphore, #tpu.memory_space<semaphore_mem>>) src(%arg12 : memref<16x1024xf32, #tpu.memory_space<vmem>>) dst(%dma_wait3A_369 : memref<16x1024xf32, #tpu.memory_space<hbm>>)
    %add3A_370 = arith.constant 112 : i32
    %add3A_371 = arith.addi %mul3A_32, %add3A_370 : i32
    %dma_start3A_372 = tpu.memref_slice %arg8[%add3A_371] : memref<2048xi32, #tpu.memory_space<vmem>> -> memref<16xi32, #tpu.memory_space<vmem>>
    %dma_start3A_373 = arith.constant 0 : i32
    %dma_start3A_374 = arith.constant 0 : i32
    %dma_start3A_375 = tpu.memref_slice %arg5[%dma_start3A_373, %dma_start3A_374] : memref<100000x1024xf32, #tpu.memory_space<hbm>> -> memref<100000x1024xf32, #tpu.memory_space<hbm>>
    tpu.enqueue_indirect_dma source(%dma_start3A_375 : memref<100000x1024xf32, #tpu.memory_space<hbm>>) target(%arg12 : memref<16x1024xf32, #tpu.memory_space<vmem>>) offsets(%dma_start3A_372 : memref<16xi32, #tpu.memory_space<vmem>>) semaphore(%arg20 : memref<!tpu.dma_semaphore, #tpu.memory_space<semaphore_mem>>)
    %dma_wait3A_376 = tpu.memref_slice %arg8[%add3A_53] : memref<2048xi32, #tpu.memory_space<vmem>> -> memref<16xi32, #tpu.memory_space<vmem>>
    %dma_wait3A_377 = arith.constant 0 : i32
    %dma_wait3A_378 = arith.constant 0 : i32
    %dma_wait3A_379 = tpu.memref_slice %arg5[%dma_wait3A_377, %dma_wait3A_378] : memref<100000x1024xf32, #tpu.memory_space<hbm>> -> memref<100000x1024xf32, #tpu.memory_space<hbm>>
    tpu.wait_indirect_dma semaphore(%arg22 : memref<!tpu.dma_semaphore, #tpu.memory_space<semaphore_mem>>) src(%dma_wait3A_379 : memref<100000x1024xf32, #tpu.memory_space<hbm>>) dst(%arg14 : memref<16x1024xf32, #tpu.memory_space<vmem>>)
    %add3A_380 = arith.constant 48 : i32
    %add3A_381 = arith.addi %mul3A_32, %add3A_380 : i32
    %dma_start3A_382 = arith.constant 0 : i32
    %dma_start3A_383 = tpu.memref_slice %arg6[%select_n3A, %add3A_381, %dma_start3A_382] : memref<4x2048x1024xf32, #tpu.memory_space<hbm>> -> memref<1x16x1024xf32, #tpu.memory_space<hbm>>
    %dma_start3A_384 = tpu.memref_squeeze %dma_start3A_383 : memref<1x16x1024xf32, #tpu.memory_space<hbm>> -> memref<16x1024xf32, #tpu.memory_space<hbm>>
    %dma_start3A_385 = arith.constant 0 : i32
    %dma_start3A_386 = tpu.memref_slice %arg6[%select_n3A, %add3A_381, %dma_start3A_385] : memref<4x2048x1024xf32, #tpu.memory_space<hbm>> -> memref<1x16x1024xf32, #tpu.memory_space<hbm>>
    %dma_start3A_387 = tpu.memref_squeeze %dma_start3A_386 : memref<1x16x1024xf32, #tpu.memory_space<hbm>> -> memref<16x1024xf32, #tpu.memory_space<hbm>>
    tpu.enqueue_dma source(%arg14 : memref<16x1024xf32, #tpu.memory_space<vmem>>) target(%dma_start3A_387 : memref<16x1024xf32, #tpu.memory_space<hbm>>) target_semaphore(%arg28 : memref<!tpu.dma_semaphore, #tpu.memory_space<semaphore_mem>>)
    %dma_wait3A_388 = arith.constant 0 : i32
    %dma_wait3A_389 = tpu.memref_slice %arg6[%select_n3A, %add3A_357, %dma_wait3A_388] : memref<4x2048x1024xf32, #tpu.memory_space<hbm>> -> memref<1x16x1024xf32, #tpu.memory_space<hbm>>
    %dma_wait3A_390 = tpu.memref_squeeze %dma_wait3A_389 : memref<1x16x1024xf32, #tpu.memory_space<hbm>> -> memref<16x1024xf32, #tpu.memory_space<hbm>>
    %dma_wait3A_391 = arith.constant 0 : i32
    %dma_wait3A_392 = tpu.memref_slice %arg6[%select_n3A, %add3A_357, %dma_wait3A_391] : memref<4x2048x1024xf32, #tpu.memory_space<hbm>> -> memref<1x16x1024xf32, #tpu.memory_space<hbm>>
    %dma_wait3A_393 = tpu.memref_squeeze %dma_wait3A_392 : memref<1x16x1024xf32, #tpu.memory_space<hbm>> -> memref<16x1024xf32, #tpu.memory_space<hbm>>
    tpu.wait_dma2 semaphore(%arg27 : memref<!tpu.dma_semaphore, #tpu.memory_space<semaphore_mem>>) src(%arg13 : memref<16x1024xf32, #tpu.memory_space<vmem>>) dst(%dma_wait3A_393 : memref<16x1024xf32, #tpu.memory_space<hbm>>)
    %add3A_394 = arith.constant 128 : i32
    %add3A_395 = arith.addi %mul3A_32, %add3A_394 : i32
    %dma_start3A_396 = tpu.memref_slice %arg8[%add3A_395] : memref<2048xi32, #tpu.memory_space<vmem>> -> memref<16xi32, #tpu.memory_space<vmem>>
    %dma_start3A_397 = arith.constant 0 : i32
    %dma_start3A_398 = arith.constant 0 : i32
    %dma_start3A_399 = tpu.memref_slice %arg5[%dma_start3A_397, %dma_start3A_398] : memref<100000x1024xf32, #tpu.memory_space<hbm>> -> memref<100000x1024xf32, #tpu.memory_space<hbm>>
    tpu.enqueue_indirect_dma source(%dma_start3A_399 : memref<100000x1024xf32, #tpu.memory_space<hbm>>) target(%arg13 : memref<16x1024xf32, #tpu.memory_space<vmem>>) offsets(%dma_start3A_396 : memref<16xi32, #tpu.memory_space<vmem>>) semaphore(%arg21 : memref<!tpu.dma_semaphore, #tpu.memory_space<semaphore_mem>>)
    %dma_wait3A_400 = tpu.memref_slice %arg8[%add3A_59] : memref<2048xi32, #tpu.memory_space<vmem>> -> memref<16xi32, #tpu.memory_space<vmem>>
    %dma_wait3A_401 = arith.constant 0 : i32
    %dma_wait3A_402 = arith.constant 0 : i32
    %dma_wait3A_403 = tpu.memref_slice %arg5[%dma_wait3A_401, %dma_wait3A_402] : memref<100000x1024xf32, #tpu.memory_space<hbm>> -> memref<100000x1024xf32, #tpu.memory_space<hbm>>
    tpu.wait_indirect_dma semaphore(%arg23 : memref<!tpu.dma_semaphore, #tpu.memory_space<semaphore_mem>>) src(%dma_wait3A_403 : memref<100000x1024xf32, #tpu.memory_space<hbm>>) dst(%arg15 : memref<16x1024xf32, #tpu.memory_space<vmem>>)
    %add3A_404 = arith.constant 64 : i32
    %add3A_405 = arith.addi %mul3A_32, %add3A_404 : i32
    %dma_start3A_406 = arith.constant 0 : i32
    %dma_start3A_407 = tpu.memref_slice %arg6[%select_n3A, %add3A_405, %dma_start3A_406] : memref<4x2048x1024xf32, #tpu.memory_space<hbm>> -> memref<1x16x1024xf32, #tpu.memory_space<hbm>>
    %dma_start3A_408 = tpu.memref_squeeze %dma_start3A_407 : memref<1x16x1024xf32, #tpu.memory_space<hbm>> -> memref<16x1024xf32, #tpu.memory_space<hbm>>
    %dma_start3A_409 = arith.constant 0 : i32
    %dma_start3A_410 = tpu.memref_slice %arg6[%select_n3A, %add3A_405, %dma_start3A_409] : memref<4x2048x1024xf32, #tpu.memory_space<hbm>> -> memref<1x16x1024xf32, #tpu.memory_space<hbm>>
    %dma_start3A_411 = tpu.memref_squeeze %dma_start3A_410 : memref<1x16x1024xf32, #tpu.memory_space<hbm>> -> memref<16x1024xf32, #tpu.memory_space<hbm>>
    tpu.enqueue_dma source(%arg15 : memref<16x1024xf32, #tpu.memory_space<vmem>>) target(%dma_start3A_411 : memref<16x1024xf32, #tpu.memory_space<hbm>>) target_semaphore(%arg29 : memref<!tpu.dma_semaphore, #tpu.memory_space<semaphore_mem>>)
    %dma_wait3A_412 = arith.constant 0 : i32
    %dma_wait3A_413 = tpu.memref_slice %arg6[%select_n3A, %add3A_381, %dma_wait3A_412] : memref<4x2048x1024xf32, #tpu.memory_space<hbm>> -> memref<1x16x1024xf32, #tpu.memory_space<hbm>>
    %dma_wait3A_414 = tpu.memref_squeeze %dma_wait3A_413 : memref<1x16x1024xf32, #tpu.memory_space<hbm>> -> memref<16x1024xf32, #tpu.memory_space<hbm>>
    %dma_wait3A_415 = arith.constant 0 : i32
    %dma_wait3A_416 = tpu.memref_slice %arg6[%select_n3A, %add3A_381, %dma_wait3A_415] : memref<4x2048x1024xf32, #tpu.memory_space<hbm>> -> memref<1x16x1024xf32, #tpu.memory_space<hbm>>
    %dma_wait3A_417 = tpu.memref_squeeze %dma_wait3A_416 : memref<1x16x1024xf32, #tpu.memory_space<hbm>> -> memref<16x1024xf32, #tpu.memory_space<hbm>>
    tpu.wait_dma2 semaphore(%arg28 : memref<!tpu.dma_semaphore, #tpu.memory_space<semaphore_mem>>) src(%arg14 : memref<16x1024xf32, #tpu.memory_space<vmem>>) dst(%dma_wait3A_417 : memref<16x1024xf32, #tpu.memory_space<hbm>>)
    %add3A_418 = arith.constant 144 : i32
    %add3A_419 = arith.addi %mul3A_32, %add3A_418 : i32
    %dma_start3A_420 = tpu.memref_slice %arg8[%add3A_419] : memref<2048xi32, #tpu.memory_space<vmem>> -> memref<16xi32, #tpu.memory_space<vmem>>
    %dma_start3A_421 = arith.constant 0 : i32
    %dma_start3A_422 = arith.constant 0 : i32
    %dma_start3A_423 = tpu.memref_slice %arg5[%dma_start3A_421, %dma_start3A_422] : memref<100000x1024xf32, #tpu.memory_space<hbm>> -> memref<100000x1024xf32, #tpu.memory_space<hbm>>
    tpu.enqueue_indirect_dma source(%dma_start3A_423 : memref<100000x1024xf32, #tpu.memory_space<hbm>>) target(%arg14 : memref<16x1024xf32, #tpu.memory_space<vmem>>) offsets(%dma_start3A_420 : memref<16xi32, #tpu.memory_space<vmem>>) semaphore(%arg22 : memref<!tpu.dma_semaphore, #tpu.memory_space<semaphore_mem>>)
    %dma_wait3A_424 = tpu.memref_slice %arg8[%add3A_323] : memref<2048xi32, #tpu.memory_space<vmem>> -> memref<16xi32, #tpu.memory_space<vmem>>
    %dma_wait3A_425 = arith.constant 0 : i32
    %dma_wait3A_426 = arith.constant 0 : i32
    %dma_wait3A_427 = tpu.memref_slice %arg5[%dma_wait3A_425, %dma_wait3A_426] : memref<100000x1024xf32, #tpu.memory_space<hbm>> -> memref<100000x1024xf32, #tpu.memory_space<hbm>>
    tpu.wait_indirect_dma semaphore(%arg24 : memref<!tpu.dma_semaphore, #tpu.memory_space<semaphore_mem>>) src(%dma_wait3A_427 : memref<100000x1024xf32, #tpu.memory_space<hbm>>) dst(%arg16 : memref<16x1024xf32, #tpu.memory_space<vmem>>)
    %add3A_428 = arith.constant 80 : i32
    %add3A_429 = arith.addi %mul3A_32, %add3A_428 : i32
    %dma_start3A_430 = arith.constant 0 : i32
    %dma_start3A_431 = tpu.memref_slice %arg6[%select_n3A, %add3A_429, %dma_start3A_430] : memref<4x2048x1024xf32, #tpu.memory_space<hbm>> -> memref<1x16x1024xf32, #tpu.memory_space<hbm>>
    %dma_start3A_432 = tpu.memref_squeeze %dma_start3A_431 : memref<1x16x1024xf32, #tpu.memory_space<hbm>> -> memref<16x1024xf32, #tpu.memory_space<hbm>>
    %dma_start3A_433 = arith.constant 0 : i32
    %dma_start3A_434 = tpu.memref_slice %arg6[%select_n3A, %add3A_429, %dma_start3A_433] : memref<4x2048x1024xf32, #tpu.memory_space<hbm>> -> memref<1x16x1024xf32, #tpu.memory_space<hbm>>
    %dma_start3A_435 = tpu.memref_squeeze %dma_start3A_434 : memref<1x16x1024xf32, #tpu.memory_space<hbm>> -> memref<16x1024xf32, #tpu.memory_space<hbm>>
    tpu.enqueue_dma source(%arg16 : memref<16x1024xf32, #tpu.memory_space<vmem>>) target(%dma_start3A_435 : memref<16x1024xf32, #tpu.memory_space<hbm>>) target_semaphore(%arg30 : memref<!tpu.dma_semaphore, #tpu.memory_space<semaphore_mem>>)
    %dma_wait3A_436 = arith.constant 0 : i32
    %dma_wait3A_437 = tpu.memref_slice %arg6[%select_n3A, %add3A_405, %dma_wait3A_436] : memref<4x2048x1024xf32, #tpu.memory_space<hbm>> -> memref<1x16x1024xf32, #tpu.memory_space<hbm>>
    %dma_wait3A_438 = tpu.memref_squeeze %dma_wait3A_437 : memref<1x16x1024xf32, #tpu.memory_space<hbm>> -> memref<16x1024xf32, #tpu.memory_space<hbm>>
    %dma_wait3A_439 = arith.constant 0 : i32
    %dma_wait3A_440 = tpu.memref_slice %arg6[%select_n3A, %add3A_405, %dma_wait3A_439] : memref<4x2048x1024xf32, #tpu.memory_space<hbm>> -> memref<1x16x1024xf32, #tpu.memory_space<hbm>>
    %dma_wait3A_441 = tpu.memref_squeeze %dma_wait3A_440 : memref<1x16x1024xf32, #tpu.memory_space<hbm>> -> memref<16x1024xf32, #tpu.memory_space<hbm>>
    tpu.wait_dma2 semaphore(%arg29 : memref<!tpu.dma_semaphore, #tpu.memory_space<semaphore_mem>>) src(%arg15 : memref<16x1024xf32, #tpu.memory_space<vmem>>) dst(%dma_wait3A_441 : memref<16x1024xf32, #tpu.memory_space<hbm>>)
    %add3A_442 = arith.constant 160 : i32
    %add3A_443 = arith.addi %mul3A_32, %add3A_442 : i32
    %dma_start3A_444 = tpu.memref_slice %arg8[%add3A_443] : memref<2048xi32, #tpu.memory_space<vmem>> -> memref<16xi32, #tpu.memory_space<vmem>>
    %dma_start3A_445 = arith.constant 0 : i32
    %dma_start3A_446 = arith.constant 0 : i32
    %dma_start3A_447 = tpu.memref_slice %arg5[%dma_start3A_445, %dma_start3A_446] : memref<100000x1024xf32, #tpu.memory_space<hbm>> -> memref<100000x1024xf32, #tpu.memory_space<hbm>>
    tpu.enqueue_indirect_dma source(%dma_start3A_447 : memref<100000x1024xf32, #tpu.memory_space<hbm>>) target(%arg15 : memref<16x1024xf32, #tpu.memory_space<vmem>>) offsets(%dma_start3A_444 : memref<16xi32, #tpu.memory_space<vmem>>) semaphore(%arg23 : memref<!tpu.dma_semaphore, #tpu.memory_space<semaphore_mem>>)
    %dma_wait3A_448 = tpu.memref_slice %arg8[%add3A_347] : memref<2048xi32, #tpu.memory_space<vmem>> -> memref<16xi32, #tpu.memory_space<vmem>>
    %dma_wait3A_449 = arith.constant 0 : i32
    %dma_wait3A_450 = arith.constant 0 : i32
    %dma_wait3A_451 = tpu.memref_slice %arg5[%dma_wait3A_449, %dma_wait3A_450] : memref<100000x1024xf32, #tpu.memory_space<hbm>> -> memref<100000x1024xf32, #tpu.memory_space<hbm>>
    tpu.wait_indirect_dma semaphore(%arg19 : memref<!tpu.dma_semaphore, #tpu.memory_space<semaphore_mem>>) src(%dma_wait3A_451 : memref<100000x1024xf32, #tpu.memory_space<hbm>>) dst(%arg11 : memref<16x1024xf32, #tpu.memory_space<vmem>>)
    %add3A_452 = arith.constant 96 : i32
    %add3A_453 = arith.addi %mul3A_32, %add3A_452 : i32
    %dma_start3A_454 = arith.constant 0 : i32
    %dma_start3A_455 = tpu.memref_slice %arg6[%select_n3A, %add3A_453, %dma_start3A_454] : memref<4x2048x1024xf32, #tpu.memory_space<hbm>> -> memref<1x16x1024xf32, #tpu.memory_space<hbm>>
    %dma_start3A_456 = tpu.memref_squeeze %dma_start3A_455 : memref<1x16x1024xf32, #tpu.memory_space<hbm>> -> memref<16x1024xf32, #tpu.memory_space<hbm>>
    %dma_start3A_457 = arith.constant 0 : i32
    %dma_start3A_458 = tpu.memref_slice %arg6[%select_n3A, %add3A_453, %dma_start3A_457] : memref<4x2048x1024xf32, #tpu.memory_space<hbm>> -> memref<1x16x1024xf32, #tpu.memory_space<hbm>>
    %dma_start3A_459 = tpu.memref_squeeze %dma_start3A_458 : memref<1x16x1024xf32, #tpu.memory_space<hbm>> -> memref<16x1024xf32, #tpu.memory_space<hbm>>
    tpu.enqueue_dma source(%arg11 : memref<16x1024xf32, #tpu.memory_space<vmem>>) target(%dma_start3A_459 : memref<16x1024xf32, #tpu.memory_space<hbm>>) target_semaphore(%arg25 : memref<!tpu.dma_semaphore, #tpu.memory_space<semaphore_mem>>)
    %dma_wait3A_460 = arith.constant 0 : i32
    %dma_wait3A_461 = tpu.memref_slice %arg6[%select_n3A, %add3A_429, %dma_wait3A_460] : memref<4x2048x1024xf32, #tpu.memory_space<hbm>> -> memref<1x16x1024xf32, #tpu.memory_space<hbm>>
    %dma_wait3A_462 = tpu.memref_squeeze %dma_wait3A_461 : memref<1x16x1024xf32, #tpu.memory_space<hbm>> -> memref<16x1024xf32, #tpu.memory_space<hbm>>
    %dma_wait3A_463 = arith.constant 0 : i32
    %dma_wait3A_464 = tpu.memref_slice %arg6[%select_n3A, %add3A_429, %dma_wait3A_463] : memref<4x2048x1024xf32, #tpu.memory_space<hbm>> -> memref<1x16x1024xf32, #tpu.memory_space<hbm>>
    %dma_wait3A_465 = tpu.memref_squeeze %dma_wait3A_464 : memref<1x16x1024xf32, #tpu.memory_space<hbm>> -> memref<16x1024xf32, #tpu.memory_space<hbm>>
    tpu.wait_dma2 semaphore(%arg30 : memref<!tpu.dma_semaphore, #tpu.memory_space<semaphore_mem>>) src(%arg16 : memref<16x1024xf32, #tpu.memory_space<vmem>>) dst(%dma_wait3A_465 : memref<16x1024xf32, #tpu.memory_space<hbm>>)
    %add3A_466 = arith.constant 176 : i32
    %add3A_467 = arith.addi %mul3A_32, %add3A_466 : i32
    %dma_start3A_468 = tpu.memref_slice %arg8[%add3A_467] : memref<2048xi32, #tpu.memory_space<vmem>> -> memref<16xi32, #tpu.memory_space<vmem>>
    %dma_start3A_469 = arith.constant 0 : i32
    %dma_start3A_470 = arith.constant 0 : i32
    %dma_start3A_471 = tpu.memref_slice %arg5[%dma_start3A_469, %dma_start3A_470] : memref<100000x1024xf32, #tpu.memory_space<hbm>> -> memref<100000x1024xf32, #tpu.memory_space<hbm>>
    tpu.enqueue_indirect_dma source(%dma_start3A_471 : memref<100000x1024xf32, #tpu.memory_space<hbm>>) target(%arg16 : memref<16x1024xf32, #tpu.memory_space<vmem>>) offsets(%dma_start3A_468 : memref<16xi32, #tpu.memory_space<vmem>>) semaphore(%arg24 : memref<!tpu.dma_semaphore, #tpu.memory_space<semaphore_mem>>)
    %dma_wait3A_472 = tpu.memref_slice %arg8[%add3A_371] : memref<2048xi32, #tpu.memory_space<vmem>> -> memref<16xi32, #tpu.memory_space<vmem>>
    %dma_wait3A_473 = arith.constant 0 : i32
    %dma_wait3A_474 = arith.constant 0 : i32
    %dma_wait3A_475 = tpu.memref_slice %arg5[%dma_wait3A_473, %dma_wait3A_474] : memref<100000x1024xf32, #tpu.memory_space<hbm>> -> memref<100000x1024xf32, #tpu.memory_space<hbm>>
    tpu.wait_indirect_dma semaphore(%arg20 : memref<!tpu.dma_semaphore, #tpu.memory_space<semaphore_mem>>) src(%dma_wait3A_475 : memref<100000x1024xf32, #tpu.memory_space<hbm>>) dst(%arg12 : memref<16x1024xf32, #tpu.memory_space<vmem>>)
    %add3A_476 = arith.constant 112 : i32
    %add3A_477 = arith.addi %mul3A_32, %add3A_476 : i32
    %dma_start3A_478 = arith.constant 0 : i32
    %dma_start3A_479 = tpu.memref_slice %arg6[%select_n3A, %add3A_477, %dma_start3A_478] : memref<4x2048x1024xf32, #tpu.memory_space<hbm>> -> memref<1x16x1024xf32, #tpu.memory_space<hbm>>
    %dma_start3A_480 = tpu.memref_squeeze %dma_start3A_479 : memref<1x16x1024xf32, #tpu.memory_space<hbm>> -> memref<16x1024xf32, #tpu.memory_space<hbm>>
    %dma_start3A_481 = arith.constant 0 : i32
    %dma_start3A_482 = tpu.memref_slice %arg6[%select_n3A, %add3A_477, %dma_start3A_481] : memref<4x2048x1024xf32, #tpu.memory_space<hbm>> -> memref<1x16x1024xf32, #tpu.memory_space<hbm>>
    %dma_start3A_483 = tpu.memref_squeeze %dma_start3A_482 : memref<1x16x1024xf32, #tpu.memory_space<hbm>> -> memref<16x1024xf32, #tpu.memory_space<hbm>>
    tpu.enqueue_dma source(%arg12 : memref<16x1024xf32, #tpu.memory_space<vmem>>) target(%dma_start3A_483 : memref<16x1024xf32, #tpu.memory_space<hbm>>) target_semaphore(%arg26 : memref<!tpu.dma_semaphore, #tpu.memory_space<semaphore_mem>>)
    %dma_wait3A_484 = arith.constant 0 : i32
    %dma_wait3A_485 = tpu.memref_slice %arg6[%select_n3A, %add3A_453, %dma_wait3A_484] : memref<4x2048x1024xf32, #tpu.memory_space<hbm>> -> memref<1x16x1024xf32, #tpu.memory_space<hbm>>
    %dma_wait3A_486 = tpu.memref_squeeze %dma_wait3A_485 : memref<1x16x1024xf32, #tpu.memory_space<hbm>> -> memref<16x1024xf32, #tpu.memory_space<hbm>>
    %dma_wait3A_487 = arith.constant 0 : i32
    %dma_wait3A_488 = tpu.memref_slice %arg6[%select_n3A, %add3A_453, %dma_wait3A_487] : memref<4x2048x1024xf32, #tpu.memory_space<hbm>> -> memref<1x16x1024xf32, #tpu.memory_space<hbm>>
    %dma_wait3A_489 = tpu.memref_squeeze %dma_wait3A_488 : memref<1x16x1024xf32, #tpu.memory_space<hbm>> -> memref<16x1024xf32, #tpu.memory_space<hbm>>
    tpu.wait_dma2 semaphore(%arg25 : memref<!tpu.dma_semaphore, #tpu.memory_space<semaphore_mem>>) src(%arg11 : memref<16x1024xf32, #tpu.memory_space<vmem>>) dst(%dma_wait3A_489 : memref<16x1024xf32, #tpu.memory_space<hbm>>)
    %add3A_490 = arith.constant 192 : i32
    %add3A_491 = arith.addi %mul3A_32, %add3A_490 : i32
    %dma_start3A_492 = tpu.memref_slice %arg8[%add3A_491] : memref<2048xi32, #tpu.memory_space<vmem>> -> memref<16xi32, #tpu.memory_space<vmem>>
    %dma_start3A_493 = arith.constant 0 : i32
    %dma_start3A_494 = arith.constant 0 : i32
    %dma_start3A_495 = tpu.memref_slice %arg5[%dma_start3A_493, %dma_start3A_494] : memref<100000x1024xf32, #tpu.memory_space<hbm>> -> memref<100000x1024xf32, #tpu.memory_space<hbm>>
    tpu.enqueue_indirect_dma source(%dma_start3A_495 : memref<100000x1024xf32, #tpu.memory_space<hbm>>) target(%arg11 : memref<16x1024xf32, #tpu.memory_space<vmem>>) offsets(%dma_start3A_492 : memref<16xi32, #tpu.memory_space<vmem>>) semaphore(%arg19 : memref<!tpu.dma_semaphore, #tpu.memory_space<semaphore_mem>>)
    %dma_wait3A_496 = tpu.memref_slice %arg8[%add3A_395] : memref<2048xi32, #tpu.memory_space<vmem>> -> memref<16xi32, #tpu.memory_space<vmem>>
    %dma_wait3A_497 = arith.constant 0 : i32
    %dma_wait3A_498 = arith.constant 0 : i32
    %dma_wait3A_499 = tpu.memref_slice %arg5[%dma_wait3A_497, %dma_wait3A_498] : memref<100000x1024xf32, #tpu.memory_space<hbm>> -> memref<100000x1024xf32, #tpu.memory_space<hbm>>
    tpu.wait_indirect_dma semaphore(%arg21 : memref<!tpu.dma_semaphore, #tpu.memory_space<semaphore_mem>>) src(%dma_wait3A_499 : memref<100000x1024xf32, #tpu.memory_space<hbm>>) dst(%arg13 : memref<16x1024xf32, #tpu.memory_space<vmem>>)
    %add3A_500 = arith.constant 128 : i32
    %add3A_501 = arith.addi %mul3A_32, %add3A_500 : i32
    %dma_start3A_502 = arith.constant 0 : i32
    %dma_start3A_503 = tpu.memref_slice %arg6[%select_n3A, %add3A_501, %dma_start3A_502] : memref<4x2048x1024xf32, #tpu.memory_space<hbm>> -> memref<1x16x1024xf32, #tpu.memory_space<hbm>>
    %dma_start3A_504 = tpu.memref_squeeze %dma_start3A_503 : memref<1x16x1024xf32, #tpu.memory_space<hbm>> -> memref<16x1024xf32, #tpu.memory_space<hbm>>
    %dma_start3A_505 = arith.constant 0 : i32
    %dma_start3A_506 = tpu.memref_slice %arg6[%select_n3A, %add3A_501, %dma_start3A_505] : memref<4x2048x1024xf32, #tpu.memory_space<hbm>> -> memref<1x16x1024xf32, #tpu.memory_space<hbm>>
    %dma_start3A_507 = tpu.memref_squeeze %dma_start3A_506 : memref<1x16x1024xf32, #tpu.memory_space<hbm>> -> memref<16x1024xf32, #tpu.memory_space<hbm>>
    tpu.enqueue_dma source(%arg13 : memref<16x1024xf32, #tpu.memory_space<vmem>>) target(%dma_start3A_507 : memref<16x1024xf32, #tpu.memory_space<hbm>>) target_semaphore(%arg27 : memref<!tpu.dma_semaphore, #tpu.memory_space<semaphore_mem>>)
    %dma_wait3A_508 = arith.constant 0 : i32
    %dma_wait3A_509 = tpu.memref_slice %arg6[%select_n3A, %add3A_477, %dma_wait3A_508] : memref<4x2048x1024xf32, #tpu.memory_space<hbm>> -> memref<1x16x1024xf32, #tpu.memory_space<hbm>>
    %dma_wait3A_510 = tpu.memref_squeeze %dma_wait3A_509 : memref<1x16x1024xf32, #tpu.memory_space<hbm>> -> memref<16x1024xf32, #tpu.memory_space<hbm>>
    %dma_wait3A_511 = arith.constant 0 : i32
    %dma_wait3A_512 = tpu.memref_slice %arg6[%select_n3A, %add3A_477, %dma_wait3A_511] : memref<4x2048x1024xf32, #tpu.memory_space<hbm>> -> memref<1x16x1024xf32, #tpu.memory_space<hbm>>
    %dma_wait3A_513 = tpu.memref_squeeze %dma_wait3A_512 : memref<1x16x1024xf32, #tpu.memory_space<hbm>> -> memref<16x1024xf32, #tpu.memory_space<hbm>>
    tpu.wait_dma2 semaphore(%arg26 : memref<!tpu.dma_semaphore, #tpu.memory_space<semaphore_mem>>) src(%arg12 : memref<16x1024xf32, #tpu.memory_space<vmem>>) dst(%dma_wait3A_513 : memref<16x1024xf32, #tpu.memory_space<hbm>>)
    %add3A_514 = arith.constant 208 : i32
    %add3A_515 = arith.addi %mul3A_32, %add3A_514 : i32
    %dma_start3A_516 = tpu.memref_slice %arg8[%add3A_515] : memref<2048xi32, #tpu.memory_space<vmem>> -> memref<16xi32, #tpu.memory_space<vmem>>
    %dma_start3A_517 = arith.constant 0 : i32
    %dma_start3A_518 = arith.constant 0 : i32
    %dma_start3A_519 = tpu.memref_slice %arg5[%dma_start3A_517, %dma_start3A_518] : memref<100000x1024xf32, #tpu.memory_space<hbm>> -> memref<100000x1024xf32, #tpu.memory_space<hbm>>
    tpu.enqueue_indirect_dma source(%dma_start3A_519 : memref<100000x1024xf32, #tpu.memory_space<hbm>>) target(%arg12 : memref<16x1024xf32, #tpu.memory_space<vmem>>) offsets(%dma_start3A_516 : memref<16xi32, #tpu.memory_space<vmem>>) semaphore(%arg20 : memref<!tpu.dma_semaphore, #tpu.memory_space<semaphore_mem>>)
    %dma_wait3A_520 = tpu.memref_slice %arg8[%add3A_419] : memref<2048xi32, #tpu.memory_space<vmem>> -> memref<16xi32, #tpu.memory_space<vmem>>
    %dma_wait3A_521 = arith.constant 0 : i32
    %dma_wait3A_522 = arith.constant 0 : i32
    %dma_wait3A_523 = tpu.memref_slice %arg5[%dma_wait3A_521, %dma_wait3A_522] : memref<100000x1024xf32, #tpu.memory_space<hbm>> -> memref<100000x1024xf32, #tpu.memory_space<hbm>>
    tpu.wait_indirect_dma semaphore(%arg22 : memref<!tpu.dma_semaphore, #tpu.memory_space<semaphore_mem>>) src(%dma_wait3A_523 : memref<100000x1024xf32, #tpu.memory_space<hbm>>) dst(%arg14 : memref<16x1024xf32, #tpu.memory_space<vmem>>)
    %add3A_524 = arith.constant 144 : i32
    %add3A_525 = arith.addi %mul3A_32, %add3A_524 : i32
    %dma_start3A_526 = arith.constant 0 : i32
    %dma_start3A_527 = tpu.memref_slice %arg6[%select_n3A, %add3A_525, %dma_start3A_526] : memref<4x2048x1024xf32, #tpu.memory_space<hbm>> -> memref<1x16x1024xf32, #tpu.memory_space<hbm>>
    %dma_start3A_528 = tpu.memref_squeeze %dma_start3A_527 : memref<1x16x1024xf32, #tpu.memory_space<hbm>> -> memref<16x1024xf32, #tpu.memory_space<hbm>>
    %dma_start3A_529 = arith.constant 0 : i32
    %dma_start3A_530 = tpu.memref_slice %arg6[%select_n3A, %add3A_525, %dma_start3A_529] : memref<4x2048x1024xf32, #tpu.memory_space<hbm>> -> memref<1x16x1024xf32, #tpu.memory_space<hbm>>
    %dma_start3A_531 = tpu.memref_squeeze %dma_start3A_530 : memref<1x16x1024xf32, #tpu.memory_space<hbm>> -> memref<16x1024xf32, #tpu.memory_space<hbm>>
    tpu.enqueue_dma source(%arg14 : memref<16x1024xf32, #tpu.memory_space<vmem>>) target(%dma_start3A_531 : memref<16x1024xf32, #tpu.memory_space<hbm>>) target_semaphore(%arg28 : memref<!tpu.dma_semaphore, #tpu.memory_space<semaphore_mem>>)
    %dma_wait3A_532 = arith.constant 0 : i32
    %dma_wait3A_533 = tpu.memref_slice %arg6[%select_n3A, %add3A_501, %dma_wait3A_532] : memref<4x2048x1024xf32, #tpu.memory_space<hbm>> -> memref<1x16x1024xf32, #tpu.memory_space<hbm>>
    %dma_wait3A_534 = tpu.memref_squeeze %dma_wait3A_533 : memref<1x16x1024xf32, #tpu.memory_space<hbm>> -> memref<16x1024xf32, #tpu.memory_space<hbm>>
    %dma_wait3A_535 = arith.constant 0 : i32
    %dma_wait3A_536 = tpu.memref_slice %arg6[%select_n3A, %add3A_501, %dma_wait3A_535] : memref<4x2048x1024xf32, #tpu.memory_space<hbm>> -> memref<1x16x1024xf32, #tpu.memory_space<hbm>>
    %dma_wait3A_537 = tpu.memref_squeeze %dma_wait3A_536 : memref<1x16x1024xf32, #tpu.memory_space<hbm>> -> memref<16x1024xf32, #tpu.memory_space<hbm>>
    tpu.wait_dma2 semaphore(%arg27 : memref<!tpu.dma_semaphore, #tpu.memory_space<semaphore_mem>>) src(%arg13 : memref<16x1024xf32, #tpu.memory_space<vmem>>) dst(%dma_wait3A_537 : memref<16x1024xf32, #tpu.memory_space<hbm>>)
    %add3A_538 = arith.constant 224 : i32
    %add3A_539 = arith.addi %mul3A_32, %add3A_538 : i32
    %dma_start3A_540 = tpu.memref_slice %arg8[%add3A_539] : memref<2048xi32, #tpu.memory_space<vmem>> -> memref<16xi32, #tpu.memory_space<vmem>>
    %dma_start3A_541 = arith.constant 0 : i32
    %dma_start3A_542 = arith.constant 0 : i32
    %dma_start3A_543 = tpu.memref_slice %arg5[%dma_start3A_541, %dma_start3A_542] : memref<100000x1024xf32, #tpu.memory_space<hbm>> -> memref<100000x1024xf32, #tpu.memory_space<hbm>>
    tpu.enqueue_indirect_dma source(%dma_start3A_543 : memref<100000x1024xf32, #tpu.memory_space<hbm>>) target(%arg13 : memref<16x1024xf32, #tpu.memory_space<vmem>>) offsets(%dma_start3A_540 : memref<16xi32, #tpu.memory_space<vmem>>) semaphore(%arg21 : memref<!tpu.dma_semaphore, #tpu.memory_space<semaphore_mem>>)
    %dma_wait3A_544 = tpu.memref_slice %arg8[%add3A_443] : memref<2048xi32, #tpu.memory_space<vmem>> -> memref<16xi32, #tpu.memory_space<vmem>>
    %dma_wait3A_545 = arith.constant 0 : i32
    %dma_wait3A_546 = arith.constant 0 : i32
    %dma_wait3A_547 = tpu.memref_slice %arg5[%dma_wait3A_545, %dma_wait3A_546] : memref<100000x1024xf32, #tpu.memory_space<hbm>> -> memref<100000x1024xf32, #tpu.memory_space<hbm>>
    tpu.wait_indirect_dma semaphore(%arg23 : memref<!tpu.dma_semaphore, #tpu.memory_space<semaphore_mem>>) src(%dma_wait3A_547 : memref<100000x1024xf32, #tpu.memory_space<hbm>>) dst(%arg15 : memref<16x1024xf32, #tpu.memory_space<vmem>>)
    %add3A_548 = arith.constant 160 : i32
    %add3A_549 = arith.addi %mul3A_32, %add3A_548 : i32
    %dma_start3A_550 = arith.constant 0 : i32
    %dma_start3A_551 = tpu.memref_slice %arg6[%select_n3A, %add3A_549, %dma_start3A_550] : memref<4x2048x1024xf32, #tpu.memory_space<hbm>> -> memref<1x16x1024xf32, #tpu.memory_space<hbm>>
    %dma_start3A_552 = tpu.memref_squeeze %dma_start3A_551 : memref<1x16x1024xf32, #tpu.memory_space<hbm>> -> memref<16x1024xf32, #tpu.memory_space<hbm>>
    %dma_start3A_553 = arith.constant 0 : i32
    %dma_start3A_554 = tpu.memref_slice %arg6[%select_n3A, %add3A_549, %dma_start3A_553] : memref<4x2048x1024xf32, #tpu.memory_space<hbm>> -> memref<1x16x1024xf32, #tpu.memory_space<hbm>>
    %dma_start3A_555 = tpu.memref_squeeze %dma_start3A_554 : memref<1x16x1024xf32, #tpu.memory_space<hbm>> -> memref<16x1024xf32, #tpu.memory_space<hbm>>
    tpu.enqueue_dma source(%arg15 : memref<16x1024xf32, #tpu.memory_space<vmem>>) target(%dma_start3A_555 : memref<16x1024xf32, #tpu.memory_space<hbm>>) target_semaphore(%arg29 : memref<!tpu.dma_semaphore, #tpu.memory_space<semaphore_mem>>)
    %dma_wait3A_556 = arith.constant 0 : i32
    %dma_wait3A_557 = tpu.memref_slice %arg6[%select_n3A, %add3A_525, %dma_wait3A_556] : memref<4x2048x1024xf32, #tpu.memory_space<hbm>> -> memref<1x16x1024xf32, #tpu.memory_space<hbm>>
    %dma_wait3A_558 = tpu.memref_squeeze %dma_wait3A_557 : memref<1x16x1024xf32, #tpu.memory_space<hbm>> -> memref<16x1024xf32, #tpu.memory_space<hbm>>
    %dma_wait3A_559 = arith.constant 0 : i32
    %dma_wait3A_560 = tpu.memref_slice %arg6[%select_n3A, %add3A_525, %dma_wait3A_559] : memref<4x2048x1024xf32, #tpu.memory_space<hbm>> -> memref<1x16x1024xf32, #tpu.memory_space<hbm>>
    %dma_wait3A_561 = tpu.memref_squeeze %dma_wait3A_560 : memref<1x16x1024xf32, #tpu.memory_space<hbm>> -> memref<16x1024xf32, #tpu.memory_space<hbm>>
    tpu.wait_dma2 semaphore(%arg28 : memref<!tpu.dma_semaphore, #tpu.memory_space<semaphore_mem>>) src(%arg14 : memref<16x1024xf32, #tpu.memory_space<vmem>>) dst(%dma_wait3A_561 : memref<16x1024xf32, #tpu.memory_space<hbm>>)
    %add3A_562 = arith.constant 240 : i32
    %add3A_563 = arith.addi %mul3A_32, %add3A_562 : i32
    %dma_start3A_564 = tpu.memref_slice %arg8[%add3A_563] : memref<2048xi32, #tpu.memory_space<vmem>> -> memref<16xi32, #tpu.memory_space<vmem>>
    %dma_start3A_565 = arith.constant 0 : i32
    %dma_start3A_566 = arith.constant 0 : i32
    %dma_start3A_567 = tpu.memref_slice %arg5[%dma_start3A_565, %dma_start3A_566] : memref<100000x1024xf32, #tpu.memory_space<hbm>> -> memref<100000x1024xf32, #tpu.memory_space<hbm>>
    tpu.enqueue_indirect_dma source(%dma_start3A_567 : memref<100000x1024xf32, #tpu.memory_space<hbm>>) target(%arg14 : memref<16x1024xf32, #tpu.memory_space<vmem>>) offsets(%dma_start3A_564 : memref<16xi32, #tpu.memory_space<vmem>>) semaphore(%arg22 : memref<!tpu.dma_semaphore, #tpu.memory_space<semaphore_mem>>)
    %dma_wait3A_568 = tpu.memref_slice %arg8[%add3A_467] : memref<2048xi32, #tpu.memory_space<vmem>> -> memref<16xi32, #tpu.memory_space<vmem>>
    %dma_wait3A_569 = arith.constant 0 : i32
    %dma_wait3A_570 = arith.constant 0 : i32
    %dma_wait3A_571 = tpu.memref_slice %arg5[%dma_wait3A_569, %dma_wait3A_570] : memref<100000x1024xf32, #tpu.memory_space<hbm>> -> memref<100000x1024xf32, #tpu.memory_space<hbm>>
    tpu.wait_indirect_dma semaphore(%arg24 : memref<!tpu.dma_semaphore, #tpu.memory_space<semaphore_mem>>) src(%dma_wait3A_571 : memref<100000x1024xf32, #tpu.memory_space<hbm>>) dst(%arg16 : memref<16x1024xf32, #tpu.memory_space<vmem>>)
    %add3A_572 = arith.constant 176 : i32
    %add3A_573 = arith.addi %mul3A_32, %add3A_572 : i32
    %dma_start3A_574 = arith.constant 0 : i32
    %dma_start3A_575 = tpu.memref_slice %arg6[%select_n3A, %add3A_573, %dma_start3A_574] : memref<4x2048x1024xf32, #tpu.memory_space<hbm>> -> memref<1x16x1024xf32, #tpu.memory_space<hbm>>
    %dma_start3A_576 = tpu.memref_squeeze %dma_start3A_575 : memref<1x16x1024xf32, #tpu.memory_space<hbm>> -> memref<16x1024xf32, #tpu.memory_space<hbm>>
    %dma_start3A_577 = arith.constant 0 : i32
    %dma_start3A_578 = tpu.memref_slice %arg6[%select_n3A, %add3A_573, %dma_start3A_577] : memref<4x2048x1024xf32, #tpu.memory_space<hbm>> -> memref<1x16x1024xf32, #tpu.memory_space<hbm>>
    %dma_start3A_579 = tpu.memref_squeeze %dma_start3A_578 : memref<1x16x1024xf32, #tpu.memory_space<hbm>> -> memref<16x1024xf32, #tpu.memory_space<hbm>>
    tpu.enqueue_dma source(%arg16 : memref<16x1024xf32, #tpu.memory_space<vmem>>) target(%dma_start3A_579 : memref<16x1024xf32, #tpu.memory_space<hbm>>) target_semaphore(%arg30 : memref<!tpu.dma_semaphore, #tpu.memory_space<semaphore_mem>>)
    %dma_wait3A_580 = tpu.memref_slice %arg8[%add3A_491] : memref<2048xi32, #tpu.memory_space<vmem>> -> memref<16xi32, #tpu.memory_space<vmem>>
    %dma_wait3A_581 = arith.constant 0 : i32
    %dma_wait3A_582 = arith.constant 0 : i32
    %dma_wait3A_583 = tpu.memref_slice %arg5[%dma_wait3A_581, %dma_wait3A_582] : memref<100000x1024xf32, #tpu.memory_space<hbm>> -> memref<100000x1024xf32, #tpu.memory_space<hbm>>
    tpu.wait_indirect_dma semaphore(%arg19 : memref<!tpu.dma_semaphore, #tpu.memory_space<semaphore_mem>>) src(%dma_wait3A_583 : memref<100000x1024xf32, #tpu.memory_space<hbm>>) dst(%arg11 : memref<16x1024xf32, #tpu.memory_space<vmem>>)
    %add3A_584 = arith.constant 192 : i32
    %add3A_585 = arith.addi %mul3A_32, %add3A_584 : i32
    %dma_start3A_586 = arith.constant 0 : i32
    %dma_start3A_587 = tpu.memref_slice %arg6[%select_n3A, %add3A_585, %dma_start3A_586] : memref<4x2048x1024xf32, #tpu.memory_space<hbm>> -> memref<1x16x1024xf32, #tpu.memory_space<hbm>>
    %dma_start3A_588 = tpu.memref_squeeze %dma_start3A_587 : memref<1x16x1024xf32, #tpu.memory_space<hbm>> -> memref<16x1024xf32, #tpu.memory_space<hbm>>
    %dma_start3A_589 = arith.constant 0 : i32
    %dma_start3A_590 = tpu.memref_slice %arg6[%select_n3A, %add3A_585, %dma_start3A_589] : memref<4x2048x1024xf32, #tpu.memory_space<hbm>> -> memref<1x16x1024xf32, #tpu.memory_space<hbm>>
    %dma_start3A_591 = tpu.memref_squeeze %dma_start3A_590 : memref<1x16x1024xf32, #tpu.memory_space<hbm>> -> memref<16x1024xf32, #tpu.memory_space<hbm>>
    tpu.enqueue_dma source(%arg11 : memref<16x1024xf32, #tpu.memory_space<vmem>>) target(%dma_start3A_591 : memref<16x1024xf32, #tpu.memory_space<hbm>>) target_semaphore(%arg25 : memref<!tpu.dma_semaphore, #tpu.memory_space<semaphore_mem>>)
    %dma_wait3A_592 = tpu.memref_slice %arg8[%add3A_515] : memref<2048xi32, #tpu.memory_space<vmem>> -> memref<16xi32, #tpu.memory_space<vmem>>
    %dma_wait3A_593 = arith.constant 0 : i32
    %dma_wait3A_594 = arith.constant 0 : i32
    %dma_wait3A_595 = tpu.memref_slice %arg5[%dma_wait3A_593, %dma_wait3A_594] : memref<100000x1024xf32, #tpu.memory_space<hbm>> -> memref<100000x1024xf32, #tpu.memory_space<hbm>>
    tpu.wait_indirect_dma semaphore(%arg20 : memref<!tpu.dma_semaphore, #tpu.memory_space<semaphore_mem>>) src(%dma_wait3A_595 : memref<100000x1024xf32, #tpu.memory_space<hbm>>) dst(%arg12 : memref<16x1024xf32, #tpu.memory_space<vmem>>)
    %add3A_596 = arith.constant 208 : i32
    %add3A_597 = arith.addi %mul3A_32, %add3A_596 : i32
    %dma_start3A_598 = arith.constant 0 : i32
    %dma_start3A_599 = tpu.memref_slice %arg6[%select_n3A, %add3A_597, %dma_start3A_598] : memref<4x2048x1024xf32, #tpu.memory_space<hbm>> -> memref<1x16x1024xf32, #tpu.memory_space<hbm>>
    %dma_start3A_600 = tpu.memref_squeeze %dma_start3A_599 : memref<1x16x1024xf32, #tpu.memory_space<hbm>> -> memref<16x1024xf32, #tpu.memory_space<hbm>>
    %dma_start3A_601 = arith.constant 0 : i32
    %dma_start3A_602 = tpu.memref_slice %arg6[%select_n3A, %add3A_597, %dma_start3A_601] : memref<4x2048x1024xf32, #tpu.memory_space<hbm>> -> memref<1x16x1024xf32, #tpu.memory_space<hbm>>
    %dma_start3A_603 = tpu.memref_squeeze %dma_start3A_602 : memref<1x16x1024xf32, #tpu.memory_space<hbm>> -> memref<16x1024xf32, #tpu.memory_space<hbm>>
    tpu.enqueue_dma source(%arg12 : memref<16x1024xf32, #tpu.memory_space<vmem>>) target(%dma_start3A_603 : memref<16x1024xf32, #tpu.memory_space<hbm>>) target_semaphore(%arg26 : memref<!tpu.dma_semaphore, #tpu.memory_space<semaphore_mem>>)
    %dma_wait3A_604 = tpu.memref_slice %arg8[%add3A_539] : memref<2048xi32, #tpu.memory_space<vmem>> -> memref<16xi32, #tpu.memory_space<vmem>>
    %dma_wait3A_605 = arith.constant 0 : i32
    %dma_wait3A_606 = arith.constant 0 : i32
    %dma_wait3A_607 = tpu.memref_slice %arg5[%dma_wait3A_605, %dma_wait3A_606] : memref<100000x1024xf32, #tpu.memory_space<hbm>> -> memref<100000x1024xf32, #tpu.memory_space<hbm>>
    tpu.wait_indirect_dma semaphore(%arg21 : memref<!tpu.dma_semaphore, #tpu.memory_space<semaphore_mem>>) src(%dma_wait3A_607 : memref<100000x1024xf32, #tpu.memory_space<hbm>>) dst(%arg13 : memref<16x1024xf32, #tpu.memory_space<vmem>>)
    %add3A_608 = arith.constant 224 : i32
    %add3A_609 = arith.addi %mul3A_32, %add3A_608 : i32
    %dma_start3A_610 = arith.constant 0 : i32
    %dma_start3A_611 = tpu.memref_slice %arg6[%select_n3A, %add3A_609, %dma_start3A_610] : memref<4x2048x1024xf32, #tpu.memory_space<hbm>> -> memref<1x16x1024xf32, #tpu.memory_space<hbm>>
    %dma_start3A_612 = tpu.memref_squeeze %dma_start3A_611 : memref<1x16x1024xf32, #tpu.memory_space<hbm>> -> memref<16x1024xf32, #tpu.memory_space<hbm>>
    %dma_start3A_613 = arith.constant 0 : i32
    %dma_start3A_614 = tpu.memref_slice %arg6[%select_n3A, %add3A_609, %dma_start3A_613] : memref<4x2048x1024xf32, #tpu.memory_space<hbm>> -> memref<1x16x1024xf32, #tpu.memory_space<hbm>>
    %dma_start3A_615 = tpu.memref_squeeze %dma_start3A_614 : memref<1x16x1024xf32, #tpu.memory_space<hbm>> -> memref<16x1024xf32, #tpu.memory_space<hbm>>
    tpu.enqueue_dma source(%arg13 : memref<16x1024xf32, #tpu.memory_space<vmem>>) target(%dma_start3A_615 : memref<16x1024xf32, #tpu.memory_space<hbm>>) target_semaphore(%arg27 : memref<!tpu.dma_semaphore, #tpu.memory_space<semaphore_mem>>)
    %dma_wait3A_616 = tpu.memref_slice %arg8[%add3A_563] : memref<2048xi32, #tpu.memory_space<vmem>> -> memref<16xi32, #tpu.memory_space<vmem>>
    %dma_wait3A_617 = arith.constant 0 : i32
    %dma_wait3A_618 = arith.constant 0 : i32
    %dma_wait3A_619 = tpu.memref_slice %arg5[%dma_wait3A_617, %dma_wait3A_618] : memref<100000x1024xf32, #tpu.memory_space<hbm>> -> memref<100000x1024xf32, #tpu.memory_space<hbm>>
    tpu.wait_indirect_dma semaphore(%arg22 : memref<!tpu.dma_semaphore, #tpu.memory_space<semaphore_mem>>) src(%dma_wait3A_619 : memref<100000x1024xf32, #tpu.memory_space<hbm>>) dst(%arg14 : memref<16x1024xf32, #tpu.memory_space<vmem>>)
    %add3A_620 = arith.constant 240 : i32
    %add3A_621 = arith.addi %mul3A_32, %add3A_620 : i32
    %dma_start3A_622 = arith.constant 0 : i32
    %dma_start3A_623 = tpu.memref_slice %arg6[%select_n3A, %add3A_621, %dma_start3A_622] : memref<4x2048x1024xf32, #tpu.memory_space<hbm>> -> memref<1x16x1024xf32, #tpu.memory_space<hbm>>
    %dma_start3A_624 = tpu.memref_squeeze %dma_start3A_623 : memref<1x16x1024xf32, #tpu.memory_space<hbm>> -> memref<16x1024xf32, #tpu.memory_space<hbm>>
    %dma_start3A_625 = arith.constant 0 : i32
    %dma_start3A_626 = tpu.memref_slice %arg6[%select_n3A, %add3A_621, %dma_start3A_625] : memref<4x2048x1024xf32, #tpu.memory_space<hbm>> -> memref<1x16x1024xf32, #tpu.memory_space<hbm>>
    %dma_start3A_627 = tpu.memref_squeeze %dma_start3A_626 : memref<1x16x1024xf32, #tpu.memory_space<hbm>> -> memref<16x1024xf32, #tpu.memory_space<hbm>>
    tpu.enqueue_dma source(%arg14 : memref<16x1024xf32, #tpu.memory_space<vmem>>) target(%dma_start3A_627 : memref<16x1024xf32, #tpu.memory_space<hbm>>) target_semaphore(%arg28 : memref<!tpu.dma_semaphore, #tpu.memory_space<semaphore_mem>>)
    %dma_wait3A_628 = arith.constant 0 : i32
    %dma_wait3A_629 = tpu.memref_slice %arg6[%select_n3A, %add3A_549, %dma_wait3A_628] : memref<4x2048x1024xf32, #tpu.memory_space<hbm>> -> memref<1x16x1024xf32, #tpu.memory_space<hbm>>
    %dma_wait3A_630 = tpu.memref_squeeze %dma_wait3A_629 : memref<1x16x1024xf32, #tpu.memory_space<hbm>> -> memref<16x1024xf32, #tpu.memory_space<hbm>>
    %dma_wait3A_631 = arith.constant 0 : i32
    %dma_wait3A_632 = tpu.memref_slice %arg6[%select_n3A, %add3A_549, %dma_wait3A_631] : memref<4x2048x1024xf32, #tpu.memory_space<hbm>> -> memref<1x16x1024xf32, #tpu.memory_space<hbm>>
    %dma_wait3A_633 = tpu.memref_squeeze %dma_wait3A_632 : memref<1x16x1024xf32, #tpu.memory_space<hbm>> -> memref<16x1024xf32, #tpu.memory_space<hbm>>
    tpu.wait_dma2 semaphore(%arg29 : memref<!tpu.dma_semaphore, #tpu.memory_space<semaphore_mem>>) src(%arg15 : memref<16x1024xf32, #tpu.memory_space<vmem>>) dst(%dma_wait3A_633 : memref<16x1024xf32, #tpu.memory_space<hbm>>)
    %dma_wait3A_634 = arith.constant 0 : i32
    %dma_wait3A_635 = tpu.memref_slice %arg6[%select_n3A, %add3A_573, %dma_wait3A_634] : memref<4x2048x1024xf32, #tpu.memory_space<hbm>> -> memref<1x16x1024xf32, #tpu.memory_space<hbm>>
    %dma_wait3A_636 = tpu.memref_squeeze %dma_wait3A_635 : memref<1x16x1024xf32, #tpu.memory_space<hbm>> -> memref<16x1024xf32, #tpu.memory_space<hbm>>
    %dma_wait3A_637 = arith.constant 0 : i32
    %dma_wait3A_638 = tpu.memref_slice %arg6[%select_n3A, %add3A_573, %dma_wait3A_637] : memref<4x2048x1024xf32, #tpu.memory_space<hbm>> -> memref<1x16x1024xf32, #tpu.memory_space<hbm>>
    %dma_wait3A_639 = tpu.memref_squeeze %dma_wait3A_638 : memref<1x16x1024xf32, #tpu.memory_space<hbm>> -> memref<16x1024xf32, #tpu.memory_space<hbm>>
    tpu.wait_dma2 semaphore(%arg30 : memref<!tpu.dma_semaphore, #tpu.memory_space<semaphore_mem>>) src(%arg16 : memref<16x1024xf32, #tpu.memory_space<vmem>>) dst(%dma_wait3A_639 : memref<16x1024xf32, #tpu.memory_space<hbm>>)
    %dma_wait3A_640 = arith.constant 0 : i32
    %dma_wait3A_641 = tpu.memref_slice %arg6[%select_n3A, %add3A_585, %dma_wait3A_640] : memref<4x2048x1024xf32, #tpu.memory_space<hbm>> -> memref<1x16x1024xf32, #tpu.memory_space<hbm>>
    %dma_wait3A_642 = tpu.memref_squeeze %dma_wait3A_641 : memref<1x16x1024xf32, #tpu.memory_space<hbm>> -> memref<16x1024xf32, #tpu.memory_space<hbm>>
    %dma_wait3A_643 = arith.constant 0 : i32
    %dma_wait3A_644 = tpu.memref_slice %arg6[%select_n3A, %add3A_585, %dma_wait3A_643] : memref<4x2048x1024xf32, #tpu.memory_space<hbm>> -> memref<1x16x1024xf32, #tpu.memory_space<hbm>>
    %dma_wait3A_645 = tpu.memref_squeeze %dma_wait3A_644 : memref<1x16x1024xf32, #tpu.memory_space<hbm>> -> memref<16x1024xf32, #tpu.memory_space<hbm>>
    tpu.wait_dma2 semaphore(%arg25 : memref<!tpu.dma_semaphore, #tpu.memory_space<semaphore_mem>>) src(%arg11 : memref<16x1024xf32, #tpu.memory_space<vmem>>) dst(%dma_wait3A_645 : memref<16x1024xf32, #tpu.memory_space<hbm>>)
    %dma_wait3A_646 = arith.constant 0 : i32
    %dma_wait3A_647 = tpu.memref_slice %arg6[%select_n3A, %add3A_597, %dma_wait3A_646] : memref<4x2048x1024xf32, #tpu.memory_space<hbm>> -> memref<1x16x1024xf32, #tpu.memory_space<hbm>>
    %dma_wait3A_648 = tpu.memref_squeeze %dma_wait3A_647 : memref<1x16x1024xf32, #tpu.memory_space<hbm>> -> memref<16x1024xf32, #tpu.memory_space<hbm>>
    %dma_wait3A_649 = arith.constant 0 : i32
    %dma_wait3A_650 = tpu.memref_slice %arg6[%select_n3A, %add3A_597, %dma_wait3A_649] : memref<4x2048x1024xf32, #tpu.memory_space<hbm>> -> memref<1x16x1024xf32, #tpu.memory_space<hbm>>
    %dma_wait3A_651 = tpu.memref_squeeze %dma_wait3A_650 : memref<1x16x1024xf32, #tpu.memory_space<hbm>> -> memref<16x1024xf32, #tpu.memory_space<hbm>>
    tpu.wait_dma2 semaphore(%arg26 : memref<!tpu.dma_semaphore, #tpu.memory_space<semaphore_mem>>) src(%arg12 : memref<16x1024xf32, #tpu.memory_space<vmem>>) dst(%dma_wait3A_651 : memref<16x1024xf32, #tpu.memory_space<hbm>>)
    %dma_wait3A_652 = arith.constant 0 : i32
    %dma_wait3A_653 = tpu.memref_slice %arg6[%select_n3A, %add3A_609, %dma_wait3A_652] : memref<4x2048x1024xf32, #tpu.memory_space<hbm>> -> memref<1x16x1024xf32, #tpu.memory_space<hbm>>
    %dma_wait3A_654 = tpu.memref_squeeze %dma_wait3A_653 : memref<1x16x1024xf32, #tpu.memory_space<hbm>> -> memref<16x1024xf32, #tpu.memory_space<hbm>>
    %dma_wait3A_655 = arith.constant 0 : i32
    %dma_wait3A_656 = tpu.memref_slice %arg6[%select_n3A, %add3A_609, %dma_wait3A_655] : memref<4x2048x1024xf32, #tpu.memory_space<hbm>> -> memref<1x16x1024xf32, #tpu.memory_space<hbm>>
    %dma_wait3A_657 = tpu.memref_squeeze %dma_wait3A_656 : memref<1x16x1024xf32, #tpu.memory_space<hbm>> -> memref<16x1024xf32, #tpu.memory_space<hbm>>
    tpu.wait_dma2 semaphore(%arg27 : memref<!tpu.dma_semaphore, #tpu.memory_space<semaphore_mem>>) src(%arg13 : memref<16x1024xf32, #tpu.memory_space<vmem>>) dst(%dma_wait3A_657 : memref<16x1024xf32, #tpu.memory_space<hbm>>)
    %dma_wait3A_658 = arith.constant 0 : i32
    %dma_wait3A_659 = tpu.memref_slice %arg6[%select_n3A, %add3A_621, %dma_wait3A_658] : memref<4x2048x1024xf32, #tpu.memory_space<hbm>> -> memref<1x16x1024xf32, #tpu.memory_space<hbm>>
    %dma_wait3A_660 = tpu.memref_squeeze %dma_wait3A_659 : memref<1x16x1024xf32, #tpu.memory_space<hbm>> -> memref<16x1024xf32, #tpu.memory_space<hbm>>
    %dma_wait3A_661 = arith.constant 0 : i32
    %dma_wait3A_662 = tpu.memref_slice %arg6[%select_n3A, %add3A_621, %dma_wait3A_661] : memref<4x2048x1024xf32, #tpu.memory_space<hbm>> -> memref<1x16x1024xf32, #tpu.memory_space<hbm>>
    %dma_wait3A_663 = tpu.memref_squeeze %dma_wait3A_662 : memref<1x16x1024xf32, #tpu.memory_space<hbm>> -> memref<16x1024xf32, #tpu.memory_space<hbm>>
    tpu.wait_dma2 semaphore(%arg28 : memref<!tpu.dma_semaphore, #tpu.memory_space<semaphore_mem>>) src(%arg14 : memref<16x1024xf32, #tpu.memory_space<vmem>>) dst(%dma_wait3A_663 : memref<16x1024xf32, #tpu.memory_space<hbm>>)
    %barrier3A = arith.constant 0 : index
    tpu.barrier barrier_id(%barrier3A)
    %convert_element_type3A = arith.extui %le3A_98 : i1 to i32
    %cond3A = arith.constant 0 : i32
    %cond3A_664 = arith.cmpi ne, %convert_element_type3A, %cond3A : i32
    scf.if %cond3A_664 {
      %mul3A_665 = arith.constant 32 : i32
      %mul3A_666 = arith.muli %select_n3A_30, %mul3A_665 : i32
      %add3A_667 = arith.constant 0 : i32
      %add3A_668 = arith.addi %mul3A_666, %add3A_667 : i32
      "tpu.region"() ({
        %run_scoped3A = tpu.sem_alloc : memref<!tpu.dma_semaphore, #tpu.memory_space<semaphore_mem>>
        %dma_start3A_725 = arith.constant 0 : i32
        %dma_start3A_726 = tpu.memref_slice %arg3[%select_n3A, %add3A_668, %dma_start3A_725] : memref<4x256x1024xf32, #tpu.memory_space<hbm>> -> memref<1x16x1024xf32, #tpu.memory_space<hbm>>
        %dma_start3A_727 = tpu.memref_squeeze %dma_start3A_726 : memref<1x16x1024xf32, #tpu.memory_space<hbm>> -> memref<16x1024xf32, #tpu.memory_space<hbm>>
        %dma_start3A_728 = arith.constant 0 : i32
        %dma_start3A_729 = tpu.memref_slice %arg3[%select_n3A, %add3A_668, %dma_start3A_728] : memref<4x256x1024xf32, #tpu.memory_space<hbm>> -> memref<1x16x1024xf32, #tpu.memory_space<hbm>>
        %dma_start3A_730 = tpu.memref_squeeze %dma_start3A_729 : memref<1x16x1024xf32, #tpu.memory_space<hbm>> -> memref<16x1024xf32, #tpu.memory_space<hbm>>
        tpu.enqueue_dma source(%dma_start3A_730 : memref<16x1024xf32, #tpu.memory_space<hbm>>) target(%arg17 : memref<16x1024xf32, #tpu.memory_space<vmem>>) target_semaphore(%run_scoped3A : memref<!tpu.dma_semaphore, #tpu.memory_space<semaphore_mem>>)
        %dma_wait3A_731 = arith.constant 0 : i32
        %dma_wait3A_732 = tpu.memref_slice %arg3[%select_n3A, %add3A_668, %dma_wait3A_731] : memref<4x256x1024xf32, #tpu.memory_space<hbm>> -> memref<1x16x1024xf32, #tpu.memory_space<hbm>>
        %dma_wait3A_733 = tpu.memref_squeeze %dma_wait3A_732 : memref<1x16x1024xf32, #tpu.memory_space<hbm>> -> memref<16x1024xf32, #tpu.memory_space<hbm>>
        %dma_wait3A_734 = arith.constant 0 : i32
        %dma_wait3A_735 = tpu.memref_slice %arg3[%select_n3A, %add3A_668, %dma_wait3A_734] : memref<4x256x1024xf32, #tpu.memory_space<hbm>> -> memref<1x16x1024xf32, #tpu.memory_space<hbm>>
        %dma_wait3A_736 = tpu.memref_squeeze %dma_wait3A_735 : memref<1x16x1024xf32, #tpu.memory_space<hbm>> -> memref<16x1024xf32, #tpu.memory_space<hbm>>
        tpu.wait_dma2 semaphore(%run_scoped3A : memref<!tpu.dma_semaphore, #tpu.memory_space<semaphore_mem>>) src(%dma_wait3A_736 : memref<16x1024xf32, #tpu.memory_space<hbm>>) dst(%arg17 : memref<16x1024xf32, #tpu.memory_space<vmem>>)
        tpu.yield
      }) : () -> ()
      %mul3A_669 = arith.constant 32 : i32
      %mul3A_670 = arith.muli %select_n3A_30, %mul3A_669 : i32
      %add3A_671 = vector.broadcast %mul3A_670 : i32 to vector<16xi32>
      %add3A_672 = arith.addi %min3A_97, %add3A_671 : vector<16xi32>
      %add3A_673 = arith.constant 0 : i32
      %add3A_674 = vector.broadcast %add3A_673 : i32 to vector<16xi32>
      %add3A_675 = arith.addi %add3A_672, %add3A_674 : vector<16xi32>
      %add3A_676 = arith.addi %add3A_675, %iota3A_99 : vector<16xi32>
      %swap3A_677 = arith.constant 0 : index
      %swap3A_678 = tpu.vector_load %arg18[%swap3A_677] {strides = array<i32>} : memref<16xi32, #tpu.memory_space<vmem>>, vector<16xi32>,
      %swap3A_679 = vector.shape_cast %swap3A_678 : vector<16xi32> to vector<16xi32>
      %swap3A_680 = vector.shape_cast %add3A_676 : vector<16xi32> to vector<16xi32>
      tpu.vector_store %arg18[%swap3A_677], %swap3A_680 {strides = array<i32>} : memref<16xi32, #tpu.memory_space<vmem>>, vector<16xi32>,
      %dma_start3A_681 = arith.constant 0 : i32
      %dma_start3A_682 = arith.constant 0 : i32
      %dma_start3A_683 = tpu.memref_slice %arg6[%select_n3A, %dma_start3A_681, %dma_start3A_682] : memref<4x2048x1024xf32, #tpu.memory_space<hbm>> -> memref<1x2048x1024xf32, #tpu.memory_space<hbm>>
      %dma_start3A_684 = tpu.memref_squeeze %dma_start3A_683 : memref<1x2048x1024xf32, #tpu.memory_space<hbm>> -> memref<2048x1024xf32, #tpu.memory_space<hbm>>
      %dma_start3A_685 = arith.constant 0 : i32
      %dma_start3A_686 = arith.constant 0 : i32
      %dma_start3A_687 = tpu.memref_slice %dma_start3A_684[%dma_start3A_685, %dma_start3A_686] : memref<2048x1024xf32, #tpu.memory_space<hbm>> -> memref<2048x1024xf32, #tpu.memory_space<hbm>>
      tpu.enqueue_indirect_dma source(%arg17 : memref<16x1024xf32, #tpu.memory_space<vmem>>) target(%dma_start3A_687 : memref<2048x1024xf32, #tpu.memory_space<hbm>>) offsets(%arg18 : memref<16xi32, #tpu.memory_space<vmem>>) semaphore(%arg31 : memref<!tpu.dma_semaphore, #tpu.memory_space<semaphore_mem>>)
      %dma_wait3A_688 = arith.constant 0 : i32
      %dma_wait3A_689 = arith.constant 0 : i32
      %dma_wait3A_690 = tpu.memref_slice %arg6[%select_n3A, %dma_wait3A_688, %dma_wait3A_689] : memref<4x2048x1024xf32, #tpu.memory_space<hbm>> -> memref<1x2048x1024xf32, #tpu.memory_space<hbm>>
      %dma_wait3A_691 = tpu.memref_squeeze %dma_wait3A_690 : memref<1x2048x1024xf32, #tpu.memory_space<hbm>> -> memref<2048x1024xf32, #tpu.memory_space<hbm>>
      %dma_wait3A_692 = arith.constant 0 : i32
      %dma_wait3A_693 = arith.constant 0 : i32
      %dma_wait3A_694 = tpu.memref_slice %dma_wait3A_691[%dma_wait3A_692, %dma_wait3A_693] : memref<2048x1024xf32, #tpu.memory_space<hbm>> -> memref<2048x1024xf32, #tpu.memory_space<hbm>>
      tpu.wait_indirect_dma semaphore(%arg31 : memref<!tpu.dma_semaphore, #tpu.memory_space<semaphore_mem>>) src(%arg17 : memref<16x1024xf32, #tpu.memory_space<vmem>>) dst(%dma_wait3A_694 : memref<2048x1024xf32, #tpu.memory_space<hbm>>)
      %mul3A_695 = arith.constant 32 : i32
      %mul3A_696 = arith.muli %select_n3A_30, %mul3A_695 : i32
      %add3A_697 = arith.constant 16 : i32
      %add3A_698 = arith.addi %mul3A_696, %add3A_697 : i32
      "tpu.region"() ({
        %run_scoped3A = tpu.sem_alloc : memref<!tpu.dma_semaphore, #tpu.memory_space<semaphore_mem>>
        %dma_start3A_725 = arith.constant 0 : i32
        %dma_start3A_726 = tpu.memref_slice %arg3[%select_n3A, %add3A_698, %dma_start3A_725] : memref<4x256x1024xf32, #tpu.memory_space<hbm>> -> memref<1x16x1024xf32, #tpu.memory_space<hbm>>
        %dma_start3A_727 = tpu.memref_squeeze %dma_start3A_726 : memref<1x16x1024xf32, #tpu.memory_space<hbm>> -> memref<16x1024xf32, #tpu.memory_space<hbm>>
        %dma_start3A_728 = arith.constant 0 : i32
        %dma_start3A_729 = tpu.memref_slice %arg3[%select_n3A, %add3A_698, %dma_start3A_728] : memref<4x256x1024xf32, #tpu.memory_space<hbm>> -> memref<1x16x1024xf32, #tpu.memory_space<hbm>>
        %dma_start3A_730 = tpu.memref_squeeze %dma_start3A_729 : memref<1x16x1024xf32, #tpu.memory_space<hbm>> -> memref<16x1024xf32, #tpu.memory_space<hbm>>
        tpu.enqueue_dma source(%dma_start3A_730 : memref<16x1024xf32, #tpu.memory_space<hbm>>) target(%arg17 : memref<16x1024xf32, #tpu.memory_space<vmem>>) target_semaphore(%run_scoped3A : memref<!tpu.dma_semaphore, #tpu.memory_space<semaphore_mem>>)
        %dma_wait3A_731 = arith.constant 0 : i32
        %dma_wait3A_732 = tpu.memref_slice %arg3[%select_n3A, %add3A_698, %dma_wait3A_731] : memref<4x256x1024xf32, #tpu.memory_space<hbm>> -> memref<1x16x1024xf32, #tpu.memory_space<hbm>>
        %dma_wait3A_733 = tpu.memref_squeeze %dma_wait3A_732 : memref<1x16x1024xf32, #tpu.memory_space<hbm>> -> memref<16x1024xf32, #tpu.memory_space<hbm>>
        %dma_wait3A_734 = arith.constant 0 : i32
        %dma_wait3A_735 = tpu.memref_slice %arg3[%select_n3A, %add3A_698, %dma_wait3A_734] : memref<4x256x1024xf32, #tpu.memory_space<hbm>> -> memref<1x16x1024xf32, #tpu.memory_space<hbm>>
        %dma_wait3A_736 = tpu.memref_squeeze %dma_wait3A_735 : memref<1x16x1024xf32, #tpu.memory_space<hbm>> -> memref<16x1024xf32, #tpu.memory_space<hbm>>
        tpu.wait_dma2 semaphore(%run_scoped3A : memref<!tpu.dma_semaphore, #tpu.memory_space<semaphore_mem>>) src(%dma_wait3A_736 : memref<16x1024xf32, #tpu.memory_space<hbm>>) dst(%arg17 : memref<16x1024xf32, #tpu.memory_space<vmem>>)
        tpu.yield
      }) : () -> ()
      %mul3A_699 = arith.constant 32 : i32
      %mul3A_700 = arith.muli %select_n3A_30, %mul3A_699 : i32
      %add3A_701 = vector.broadcast %mul3A_700 : i32 to vector<16xi32>
      %add3A_702 = arith.addi %min3A_97, %add3A_701 : vector<16xi32>
      %add3A_703 = arith.constant 16 : i32
      %add3A_704 = vector.broadcast %add3A_703 : i32 to vector<16xi32>
      %add3A_705 = arith.addi %add3A_702, %add3A_704 : vector<16xi32>
      %add3A_706 = arith.addi %add3A_705, %iota3A_99 : vector<16xi32>
      %swap3A_707 = arith.constant 0 : index
      %swap3A_708 = tpu.vector_load %arg18[%swap3A_707] {strides = array<i32>} : memref<16xi32, #tpu.memory_space<vmem>>, vector<16xi32>,
      %swap3A_709 = vector.shape_cast %swap3A_708 : vector<16xi32> to vector<16xi32>
      %swap3A_710 = vector.shape_cast %add3A_706 : vector<16xi32> to vector<16xi32>
      tpu.vector_store %arg18[%swap3A_707], %swap3A_710 {strides = array<i32>} : memref<16xi32, #tpu.memory_space<vmem>>, vector<16xi32>,
      %dma_start3A_711 = arith.constant 0 : i32
      %dma_start3A_712 = arith.constant 0 : i32
      %dma_start3A_713 = tpu.memref_slice %arg6[%select_n3A, %dma_start3A_711, %dma_start3A_712] : memref<4x2048x1024xf32, #tpu.memory_space<hbm>> -> memref<1x2048x1024xf32, #tpu.memory_space<hbm>>
      %dma_start3A_714 = tpu.memref_squeeze %dma_start3A_713 : memref<1x2048x1024xf32, #tpu.memory_space<hbm>> -> memref<2048x1024xf32, #tpu.memory_space<hbm>>
      %dma_start3A_715 = arith.constant 0 : i32
      %dma_start3A_716 = arith.constant 0 : i32
      %dma_start3A_717 = tpu.memref_slice %dma_start3A_714[%dma_start3A_715, %dma_start3A_716] : memref<2048x1024xf32, #tpu.memory_space<hbm>> -> memref<2048x1024xf32, #tpu.memory_space<hbm>>
      tpu.enqueue_indirect_dma source(%arg17 : memref<16x1024xf32, #tpu.memory_space<vmem>>) target(%dma_start3A_717 : memref<2048x1024xf32, #tpu.memory_space<hbm>>) offsets(%arg18 : memref<16xi32, #tpu.memory_space<vmem>>) semaphore(%arg31 : memref<!tpu.dma_semaphore, #tpu.memory_space<semaphore_mem>>)
      %dma_wait3A_718 = arith.constant 0 : i32
      %dma_wait3A_719 = arith.constant 0 : i32
      %dma_wait3A_720 = tpu.memref_slice %arg6[%select_n3A, %dma_wait3A_718, %dma_wait3A_719] : memref<4x2048x1024xf32, #tpu.memory_space<hbm>> -> memref<1x2048x1024xf32, #tpu.memory_space<hbm>>
      %dma_wait3A_721 = tpu.memref_squeeze %dma_wait3A_720 : memref<1x2048x1024xf32, #tpu.memory_space<hbm>> -> memref<2048x1024xf32, #tpu.memory_space<hbm>>
      %dma_wait3A_722 = arith.constant 0 : i32
      %dma_wait3A_723 = arith.constant 0 : i32
      %dma_wait3A_724 = tpu.memref_slice %dma_wait3A_721[%dma_wait3A_722, %dma_wait3A_723] : memref<2048x1024xf32, #tpu.memory_space<hbm>> -> memref<2048x1024xf32, #tpu.memory_space<hbm>>
      tpu.wait_indirect_dma semaphore(%arg31 : memref<!tpu.dma_semaphore, #tpu.memory_space<semaphore_mem>>) src(%arg17 : memref<16x1024xf32, #tpu.memory_space<vmem>>) dst(%dma_wait3A_724 : memref<2048x1024xf32, #tpu.memory_space<hbm>>)
    } else {
    }
    return
  }
}

</mosaic_0001>

<sc_bundles>
// kernel: kernel.3.cloned.1.call-start
scs
__scs_entry_jumppad:
0x0: {  	(pc) =	sbr.rel $0x88, $3  }
0x1: {  	(tag) =	ssettag $0x0;
	lr =	simm.s32 $0x1  }
0x2: {  	[smem:$0x3F9D] =	sst lr;
	_ =	strace $0xD0000000  }
0x3: {  	_ = 	snop  }
0x4: {  	_ = 	snop  }
0x5: {  	_ = 	snop  }
0x6: {  	_ = 	snop  }
0x7: {  	_ = 	snop  }
__scs_overlays_trampoline_lowered:
0x8: {  	[smem:$0x3FAC] =	sst s0  }
0x9: {  	[smem:$0x3FAD] =	sst s1  }
0xa: {  	[smem:$0x3FAE] =	sst s2  }
0xb: {  	[smem:$0x3FAF] =	sst s3  }
0xc: {  	[smem:$0x3FB0] =	sst s4  }
0xd: {  	[smem:$0x3FB1] =	sst s5  }
0xe: {  	[smem:$0x3FB2] =	sst s6  }
0xf: {  	[smem:$0x3FB3] =	sst s7  }
0x10: {  	[smem:$0x3FB4] =	sst s8  }
0x11: {  	[smem:$0x3FB5] =	sst s9;
	s0 =	simm.s32 @!p0 $0x0  }
0x12: {  	s1 =	sld [smem:$0x3F9B];
	s0 =	simm.s32 @p0 $0x1  }
0x13: {  	[smem:$0x3FB6] =	sst s0;
	s0 =	simm.s32 @!p1 $0x0  }
0x14: {  	s2 =	sld [smem:$0x3F9A];
	s0 =	simm.s32 @p1 $0x1  }
0x15: {  	[smem:$0x3FB7] =	sst s0;
	s0 =	simm.s32 @!p2 $0x0  }
0x16: {  	s3 =	sld [smem:$0x3FDB];
	s0 =	simm.s32 @p2 $0x1  }
0x17: {  	s4 =	simm.s32 $0x1BF5;
	[smem:$0x3FB9] =	sst s0  }
0x18: {  	s0 =	sld [smem:$0x3F9C];
	_ =	swait.ge [sflag:s4], $0x0  }
0x19: {  	s7 =	sld [smem:$0x3F9D]  }
0x1a: {  	s8 =	sadd.s32 $0xFFFFE003, lr  }
0x1b: {  	s9 =	sadd.s32 $0xFFFFFEF7, lr;
	s5 =	simm.s32 $0xFFFFFFFF;
	p2 =	slt.u32 s8, $0xFFFFF086  }
0x1c: {  	p1 =	slt.u32 s9, $0xF7A;
	s5 =	simm.s32 @!p2 $0x0  }
0x1d: {  	s5 =	simm.s32 @p1 $0x1;
	p0 =	seq.s32 s7, s2  }
0x1e: {  	s7 =	smul.u32 @!p0 $0xF7A, s2;
	p2 =	seq.s32 @!p0 s5, $0x0  }
0x1f: {  	s9 =	smul.u32 $0xF7A, s1;
	s8 =	simm.s32 @!p0 $0x1BF5;
	p2 =	por !p2, p0  }
0x20: {  	[sflag:s8] =	ssyncset.s32 @!p0 $0xFFFFF086;
	s6 =	sadd.s32 @!p0 s3, s7;
	s7 =	simm.s32 @!p0 $0x108  }
0x21: {  	s3 =	sadd.s32 s3, s9;
	s6 =	sadd.s32 @!p0 $0x88, s6;
	s7 =	simm.s32 @p2 $0x1082  }
0x22: {  	[simem:s7], [sflag:s8] =	dma.local @!p0 [hbm:s6], $0xF7A  }
0x23: {  	s9 =	sor.u32 $0xD0000000, s2;
	s6 =	simm.s32 $0x108;
	_ =	swait.ge @!p0 [sflag:s8], $0x0  }
0x24: {  	s3 =	sadd.s32 $0x88, s3;
	s6 =	simm.s32 @!p1 $0x1082;
	[sflag:s4] =	ssyncset.s32 $0xFFFFF086  }
0x25: {  	[simem:s6], [sflag:s4] =	dma.local [hbm:s3], $0xF7A  }
0x26: {  	[smem:$0x3F9D] =	sst s1;
	(tag) =	ssettag s2;
	_ =	strace s9  }
0x27: {  	s1 =	sld [smem:$0x3FAD]  }
0x28: {  	s2 =	sld [smem:$0x3FAE]  }
0x29: {  	s4 =	sld [smem:$0x3FB0]  }
0x2a: {  	p0 =	seq.s32 s5, $0x0;
	s5 =	sld [smem:$0x3FB1]  }
0x2b: {  	s6 =	sld [smem:$0x3FB2]  }
0x2c: {  	s7 =	sld [smem:$0x3FB3]  }
0x2d: {  	s3 =	simm.s32 $0x108;
	s8 =	sld [smem:$0x3FB4]  }
0x2e: {  	s3 =	simm.s32 @!p0 $0x1082;
	s9 =	sld [smem:$0x3FB5]  }
0x2f: {  	lr =	sadd.s32 s0, s3;
	s0 =	sld [smem:$0x3FAC]  }
0x30: {  	s3 =	sld [smem:$0x3FAF]  }
0x31: {  	[smem:$0x3FB8] =	sst s10  }
0x32: {  	s10 =	sld [smem:$0x3FB6];
	_ =	sdelay $0x3  }
0x33: {  	p0 =	seq.s32 s10, $0x1;
	s10 =	sld [smem:$0x3FB8];
	_ =	sdelay $0x3  }
0x34: {  	[smem:$0x3FB8] =	sst s10  }
0x35: {  	s10 =	sld [smem:$0x3FB7];
	_ =	sdelay $0x3  }
0x36: {  	p1 =	seq.s32 s10, $0x1;
	s10 =	sld [smem:$0x3FB8];
	_ =	sdelay $0x3  }
0x37: {  	[smem:$0x3FB8] =	sst s10  }
0x38: {  	s10 =	sld [smem:$0x3FB9]  }
0x39: {  	_ = 	snop;
	(pc) =	sbr.ind lr, $3  }
0x3a: {  	_ = 	snop  }
0x3b: {  	_ = 	snop  }
0x3c: {  	p2 =	seq.s32 s10, $0x1;
	s10 =	sld [smem:$0x3FB8]  }
0x3d: {  	_ =	shalt  }
0x3e: {  	_ =	shalt  }
0x3f: {  	_ =	shalt  }
0x40: {  	_ =	shalt  }
0x41: {  	_ =	shalt  }
0x42: {  	_ =	shalt  }
0x43: {  	_ =	shalt  }
0x44: {  	_ =	shalt  }
0x45: {  	_ =	shalt  }
0x46: {  	_ =	shalt  }
0x47: {  	_ =	shalt  }
0x48: {  	_ =	shalt  }
0x49: {  	_ =	shalt  }
0x4a: {  	_ =	shalt  }
0x4b: {  	_ =	shalt  }
0x4c: {  	_ =	shalt  }
0x4d: {  	_ =	shalt  }
0x4e: {  	_ =	shalt  }
0x4f: {  	_ =	shalt  }
0x50: {  	_ =	shalt  }
0x51: {  	_ =	shalt  }
0x52: {  	_ =	shalt  }
0x53: {  	_ =	shalt  }
0x54: {  	_ =	shalt  }
0x55: {  	_ =	shalt  }
0x56: {  	_ =	shalt  }
0x57: {  	_ =	shalt  }
0x58: {  	_ =	shalt  }
0x59: {  	_ =	shalt  }
0x5a: {  	_ =	shalt  }
0x5b: {  	_ =	shalt  }
0x5c: {  	_ =	shalt  }
0x5d: {  	_ =	shalt  }
0x5e: {  	_ =	shalt  }
0x5f: {  	_ =	shalt  }
0x60: {  	_ =	shalt  }
0x61: {  	_ =	shalt  }
0x62: {  	_ =	shalt  }
0x63: {  	_ =	shalt  }
0x64: {  	_ =	shalt  }
0x65: {  	_ =	shalt  }
0x66: {  	_ =	shalt  }
0x67: {  	_ =	shalt  }
0x68: {  	_ =	shalt  }
0x69: {  	_ =	shalt  }
0x6a: {  	_ =	shalt  }
0x6b: {  	_ =	shalt  }
0x6c: {  	_ =	shalt  }
0x6d: {  	_ =	shalt  }
0x6e: {  	_ =	shalt  }
0x6f: {  	_ =	shalt  }
0x70: {  	_ =	shalt  }
0x71: {  	_ =	shalt  }
0x72: {  	_ =	shalt  }
0x73: {  	_ =	shalt  }
0x74: {  	_ =	shalt  }
0x75: {  	_ =	shalt  }
0x76: {  	_ =	shalt  }
0x77: {  	_ =	shalt  }
0x78: {  	_ =	shalt  }
0x79: {  	_ =	shalt  }
0x7a: {  	_ =	shalt  }
0x7b: {  	_ =	shalt  }
0x7c: {  	_ =	shalt  }
0x7d: {  	_ =	shalt  }
0x7e: {  	_ =	shalt  }
0x7f: {  	_ =	shalt  }
0x80: {  	_ =	shalt  }
0x81: {  	_ =	shalt  }
0x82: {  	_ =	shalt  }
0x83: {  	_ =	shalt  }
0x84: {  	_ =	shalt  }
0x85: {  	_ =	shalt  }
0x86: {  	_ =	shalt  }
0x87: {  	_ =	shalt  }
.Lfunc_end0:
.L_simem_size_0:
called_computation_lowered:
.L_overlay_start_0:
0x88: {  	s2 =	sld [smem:$0x3FD9]  }
0x89: {  	s3 =	sld [smem:$0x3FFE];
	_ =	sdelay $0x1  }
0x8a: {  	s1 =	srdreg.scid  }
0x8b: {  	s0 =	sand.u32 $0x1, s1  }
0x8c: {  	s14 =	sshll.u32 s0, $0xA;
	s2 =	sadd.s32 s3, s2  }
0x8d: {  	s2 =	sadd.s32 s2, s14  }
0x8e: {  	[smem:$0x3FC4] =	sst s2  }
0x8f: {  	_ = 	snop  }
0x90: {  	s2 =	sld [smem:$0x3FD0]  }
0x91: {  	s15 =	sld [smem:$0x3FC9]  }
0x92: {  	s4 =	sld [smem:$0x3FC8]  }
0x93: {  	s6 =	simm.s32 $0xA;
	s7 =	simm.s32 $0x10;
	s5 =	sld [smem:$0x3FC6]  }
0x94: {  	[smem:s7], [sflag:s6] =	dma.local [hbm:s2], $0x1  }
0x95: {  	_ =	swait.eq [sflag:s6], $0x1  }
0x96: {  	[sflag:s6] =	ssyncset.done $0x0  }
0x97: {  	s16 =	sld [smem:$0x10];
	[sflag:s6] =	ssyncadd.s32 $0xFFFFFFFF  }
0x98: {  	s17 =	sld [smem:$0x11];
	(tm) =	ssettm $0x1  }
0x99: {  	s18 =	sld [smem:$0x3FFB];
	_ =	sdelay $0x3  }
0x9a: {  	_ =	strace s18  }
0x9b: {  	s7 =	sld [smem:$0x3FFC];
	_ =	sdelay $0x3  }
0x9c: {  	_ =	strace s7  }
0x9d: {  	s7 =	sld [smem:$0x3FFD];
	_ =	sdelay $0x3  }
0x9e: {  	_ =	strace s7  }
0x9f: {  	_ =	strace $0x8FFFFFFF  }
0xa0: {  	s19 =	sld [smem:$0x3FDB];
	_ =	sdelay $0x1  }
0xa1: {  	s8 =	simm.s32 $_scs_section_size  }
0xa2: {  	s9 =	simm.s32 $_size__tile_overlayer_lowered;
	s10 =	simm.s32 $_tile_overlayer_lowered  }
0xa3: {  	s22 =	simm.s32 $0x1BFF;
	s21 =	sshll.u32 s10, $0x1;
	s7 =	sadd.s32 s8, s19  }
0xa4: {  	s11 =	simm.s32 $0x0;
	s20 =	sshll.u32 s9, $0x1;
	s9 =	sadd.s32 s21, s7  }
0xa5: {  	[timem:s11], [sflag:s22] =	dma.local [hbm:s9], s20  }
0xa6: {  	_ =	swait.ge [sflag:s22], s20  }
0xa7: {  	s8 =	ssub.s32 $0x0, s20;
	[sflag:s22] =	ssyncset.done $0x0  }
0xa8: {  	[sflag:s22] =	ssyncadd.s32 s8;
	_ =	sdelay $0x1  }
0xa9: {  	s23 =	simm.s32 $0x1B8B  }
0xaa: {  	_ =	swait.ge [sflag:s23], $0x1  }
0xab: {  	[sflag:s23] =	ssyncset.done $0x0  }
0xac: {  	s25 =	simm.s32 $0x1B8E;
	s24 =	sld [smem:$0x3FFE];
	[sflag:s23] =	ssyncadd.s32 $0xFFFFFFFF  }
0xad: {  	s26 =	simm.s32 $execute0_lowered;
	[smem:$0x3FD2] =	sst s25  }
0xae: {  	s9 =	sshll.u32 s26, $0x1;
	_ =	strace $0x80000046;
	[dreg:$0x1] =	wrdreg $0xFFFFFFFF  }
0xaf: {  	s28 =	simm.s32 $_size_execute0_lowered;
	s7 =	sadd.s32 s7, s9;
	[dreg:$0x0] =	wrdreg $0x0  }
0xb0: {  	s9 =	sshll.u32 s28, $0x1;
	[dreg:$0x2] =	wrdreg s7  }
0xb1: {  	[dreg:$0x3] =	wrdreg s9  }
0xb2: {  	[dreg:$0x4] =	wrdreg $0xC0  }
0xb3: {  	_ =	task [dreg:s11], $0x5FFFF  }
0xb4: {  	[dreg:$0x1] =	wrdreg $0xFFFFFFFF  }
0xb5: {  	[dreg:$0x0] =	wrdreg $0x60  }
0xb6: {  	[dreg:$0x2] =	wrdreg s15  }
0xb7: {  	[dreg:$0x3] =	wrdreg s4  }
0xb8: {  	[dreg:$0x4] =	wrdreg s24  }
0xb9: {  	[dreg:$0x5] =	wrdreg s5  }
0xba: {  	[dreg:$0x6] =	wrdreg s16  }
0xbb: {  	[dreg:$0x7] =	wrdreg s17  }
0xbc: {  	[dreg:$0x8] =	wrdreg $0x9  }
0xbd: {  	_ =	task.clear_ibuf [dreg:s11], $0x9FFFF;
	_ =	strace $0x90000046  }
0xbe: {  	s29 =	simm.s32 $0x9;
	_ =	strace $0x80000048  }
0xbf: {  	_ =	swait.ge [sflag:s29], $0x1  }
0xc0: {  	[sflag:s29] =	ssyncadd.s32 $0xFFFFFFFF  }
0xc1: {  	_ =	strace $0x90000048  }
0xc2: {  	_ =	sfence  }
0xc3: {  	s30 =	sld [smem:$0x0];
	_ =	sdelay $0x2  }
0xc4: {  	s31 =	sshll.u32 s1, $0xD;
	s1 =	sshrl.u32 s1, $0x2  }
0xc5: {  	s3 =	sand.u32 $0x4000, s31;
	s1 =	sadd.s32 s1, s30  }
0xc6: {  	s0 =	sor.u32 s3, s0;
	s1 =	sshll.u32 s1, $0x11  }
0xc7: {  	s0 =	sor.u32 s1, s0  }
0xc8: {  	s0 =	sadd.s32 $0x8F2B, s0  }
0xc9: {  	[sflag:s0] =	ssyncadd.remote.s32 $0x1  }
0xca: {  	_ =	sfence.sel $0xFFFF  }
0xcb: {  	[dreg:$0x0] =	wrdreg $0xFFFFFFFF;
	(pc) =	sbr.abs _section_cstart, $3  }
0xcc: {  	[dreg:$0x1] =	wrdreg $0xFFFFFFFF  }
0xcd: {  	_ =	task.clear_ibuf [dreg:s11], $0x2FFFF;
	_ =	strace $0x9FFFFFFF  }
0xce: {  	(tm) =	ssettm $0x7FFFFFFF  }
0xcf: {  	_ =	shalt  }
tec
execute0_lowered:
.L_overlay_start_1:
0x0: {  	(tag) =	ssettag $0x1  }
0x1: {  	s3 =	rddreg [dreg:$0x0]  }
0x2: {  	s0 =	srdreg.scid;
	s8 =	rddreg [dreg:$0x1]  }
0x3: {  	s2 =	stileid.u32;
	s4 =	simm.s32 $0x1;
	s5 =	rddreg [dreg:$0x4]  }
0x4: {  	s10 =	rddreg [dreg:$0x5];
	s30 =	simm.s32 $0xF180;
	s0 =	sand.u32 $0x1, s0  }
0x5: {  	s29 =	simm.s32 $0x0;
	s1 =	sshll.u32 s0, $0x4;
	s0 =	ssub.s32 $0x2, s0  }
0x6: {  	s1 =	sor.u32 s2, s1;
	s2 =	sand.u32 $0x7, s2;
	s25 =	sshrl.u32 s0, $0x1  }
0x7: {  	p0 =	seq.s32 s1, $0x0;
	p1 =	sne.s32 s2, $0x0;
	s1 =	sshrl.u32 s1, $0x3  }
0x8: {  	s11 =	sshll.u32 s2, $0x8;
	s31 =	sshll.u32 s2, $0x12;
	p0 =	por !p1, !p0  }
0x9: {  	s12 =	sor.u32 $0x10, s11;
	s13 =	sor.u32 $0x20, s11;
	[dreg:$0x7] =	wrdreg s11  }
0xa: {  	s14 =	sor.u32 $0x30, s11;
	s15 =	sor.u32 $0x40, s11;
	[dreg:$0x9] =	wrdreg s12  }
0xb: {  	s16 =	sor.u32 $0x50, s11;
	s17 =	sor.u32 $0x60, s11;
	[dreg:$0xa] =	wrdreg s13  }
0xc: {  	s18 =	sor.u32 $0x70, s11;
	s19 =	sor.u32 $0x80, s11;
	[dreg:$0xb] =	wrdreg s14  }
0xd: {  	p0 =	por !p0, !p0;
	s12 =	sshll.u32 s12, $0xA;
	[dreg:$0xc] =	wrdreg s15  }
0xe: {  	s20 =	sshll.u32 s13, $0xA;
	s21 =	sshll.u32 s14, $0xA;
	[dreg:$0xd] =	wrdreg s16  }
0xf: {  	s24 =	sshll.u32 s15, $0xA;
	[dreg:$0xe] =	wrdreg s17;
	s4 =	simm.s32 @!p0 $0x0  }
0x10: {  	[dreg:$0xf] =	wrdreg s18;
	s15 =	sshll.u32 s18, $0xA;
	s9 =	ssub.s32 s1, s4  }
0x11: {  	[dreg:$0x10] =	wrdreg s19;
	s4 =	sshll.u32 s9, $0xB;
	s6 =	sshll.u32 s9, $0x7  }
0x12: {  	s18 =	sor.u32 $0x90, s11;
	s4 =	sand.u32 $0xFFFFE000, s4;
	s6 =	sand.u32 $0x180, s6  }
0x13: {  	[dreg:$0x1a] =	wrdreg s18;
	s1 =	simm.s32 $0x0;
	s4 =	sor.u32 s6, s4  }
0x14: {  	[smem:$0x7FF] =	sst s1;
	s6 =	ssub.s32 s0, s25;
	s7 =	sshrl.u32 s4, $0x3  }
0x15: {  	s25 =	sshll.u32 s2, $0xF;
	s26 =	sadd.s32 s3, s7;
	s7 =	sshll.u32 s2, $0xA  }
0x16: {  	[dreg:$0x8] =	wrdreg s26;
	s28 =	sor.u32 s7, s4;
	s4 =	sshll.u32 s9, $0x15  }
0x17: {  	s9 =	sshll.u32 s9, $0x12;
	s0 =	sshrl.u32 s28, $0x3;
	s3 =	sor.u32 s31, s4  }
0x18: {  	s26 =	sor.u32 s24, s4;
	s28 =	sor.u32 s25, s9;
	s31 =	sshll.u32 s16, $0xA  }
0x19: {  	s16 =	sor.u32 s15, s4;
	s0 =	sadd.s32 s10, s0;
	s10 =	sshrl.u32 s3, $0x3  }
0x1a: {  	s3 =	sor.u32 s20, s4;
	s9 =	sor.u32 s31, s4;
	s20 =	sshll.u32 s18, $0xA  }
0x1b: {  	[dreg:$0x11] =	wrdreg s0;
	s0 =	sadd.s32 s5, s10;
	s3 =	sshrl.u32 s3, $0x3  }
0x1c: {  	s10 =	sor.u32 s21, s4;
	s21 =	sor.u32 s20, s4;
	s20 =	rddreg [dreg:$0x2]  }
0x1d: {  	s13 =	sshrl.u32 s9, $0x3;
	s9 =	sor.u32 $0xD0, s11;
	[dreg:$0x12] =	wrdreg s0  }
0x1e: {  	s0 =	sor.u32 s12, s4;
	s22 =	sadd.s32 s5, s3;
	s23 =	sshrl.u32 s10, $0x3  }
0x1f: {  	s3 =	sshrl.u32 s28, $0x3;
	s10 =	sshll.u32 s17, $0xA;
	[smem:$0x7F2] =	sst s9  }
0x20: {  	s17 =	sshll.u32 s19, $0xA;
	s0 =	sshrl.u32 s0, $0x3;
	[dreg:$0x14] =	wrdreg s22  }
0x21: {  	s12 =	sadd.s32 s8, s3;
	s3 =	sor.u32 s10, s4;
	s22 =	sor.u32 $0xA0, s11  }
0x22: {  	s10 =	sor.u32 $0xE0, s11;
	s0 =	sadd.s32 s5, s0;
	[dreg:$0x1d] =	wrdreg s22  }
0x23: {  	s14 =	sshrl.u32 s3, $0x3;
	s3 =	sor.u32 s17, s4;
	[smem:$0x7F4] =	sst s10  }
0x24: {  	[dreg:$0x13] =	wrdreg s0;
	s0 =	sadd.s32 s5, s23;
	s19 =	sshrl.u32 s3, $0x3  }
0x25: {  	s23 =	sor.u32 $0xB0, s11;
	s3 =	sshll.u32 s22, $0xA;
	[dreg:$0x15] =	wrdreg s0  }
0x26: {  	s0 =	sshrl.u32 s26, $0x3;
	s24 =	sor.u32 s3, s4;
	[dreg:$0x1e] =	wrdreg s23  }
0x27: {  	s25 =	sshll.u32 s23, $0xA;
	s26 =	sor.u32 $0xC0, s11;
	s0 =	sadd.s32 s5, s0  }
0x28: {  	s3 =	sor.u32 s25, s4;
	[smem:$0x7F0] =	sst s26;
	s31 =	sshll.u32 s26, $0xA  }
0x29: {  	s25 =	sshrl.u32 s7, $0x2;
	s26 =	sshll.u32 s2, $0x5;
	s7 =	simm.s32 $0x8980  }
0x2a: {  	s2 =	simm.s32 $0xC980;
	[dreg:$0x17] =	wrdreg s0;
	s0 =	sadd.s32 s5, s13  }
0x2b: {  	s28 =	sshrl.u32 s3, $0x3;
	s8 =	sor.u32 s31, s4;
	s31 =	sadd.s32 $0x800, s12  }
0x2c: {  	[dreg:$0x18] =	wrdreg s0;
	s0 =	sadd.s32 s5, s14;
	s3 =	sshrl.u32 s8, $0x3  }
0x2d: {  	s8 =	sshll.u32 s9, $0xA;
	s14 =	sshll.u32 s10, $0xA;
	[dreg:$0x19] =	wrdreg s0  }
0x2e: {  	s0 =	sshrl.u32 s16, $0x3;
	s3 =	sadd.s32 s5, s3;
	s13 =	sor.u32 s8, s4  }
0x2f: {  	s8 =	sor.u32 s14, s4;
	s16 =	sor.u32 $0xF0, s11;
	[smem:$0x7F3] =	sst s3  }
0x30: {  	s0 =	sadd.s32 s5, s0;
	s15 =	sshrl.u32 s13, $0x3;
	[smem:$0x7F6] =	sst s16  }
0x31: {  	v0 =	vimm.s32 $0xEFCDAB89;
	s8 =	sshrl.u32 s8, $0x3;
	[dreg:$0x1b] =	wrdreg s0;
	s0 =	sadd.s32 s5, s19  }
0x32: {  	v1 =	vimm.s32 $0x67452301;
	v2 =	vunpack.c.l.s4.s8 v0;
	s17 =	sshll.u32 s16, $0xA;
	s3 =	sadd.s32 s5, s15;
	[dreg:$0x1c] =	wrdreg s0  }
0x33: {  	v1 =	vunpack.c.l.s4.s8 v1;
	s18 =	sadd.s32 s5, s8;
	s19 =	sor.u32 s17, s4;
	[smem:$0x7F5] =	sst s3  }
0x34: {  	v3 =	vimm.s32 $0xDCFE98BA;
	v0 =	vlaneseq.u32;
	v4 =	vunpack.c.0.s8.s32 v2;
	s0 =	sshrl.u32 s21, $0x3;
	[smem:$0x7F7] =	sst s18;
	s8 =	sshrl.u32 s19, $0x3  }
0x35: {  	v5 =	vunpack.c.0.s8.s32 v1;
	v1 =	vimm.s32 $0x54761032;
	v2 =	vor.u32 $0x10, v0;
	s21 =	sshrl.u32 s4, $0x3;
	s4 =	rddreg [dreg:$0x3];
	s0 =	sadd.s32 s5, s0  }
0x36: {  	v7 =	vunpack.c.l.s4.s8 v1;
	v1 =	vor.u32 s26, v0;
	v2 =	vor.u32 s26, v2;
	s26 =	simm.s32 $0x6;
	s22 =	sadd.s32 s5, s8;
	[dreg:$0x1f] =	wrdreg s0  }
0x37: {  	v8 =	vimm.s32 $0xFEDCBA98;
	v6 =	vunpack.c.l.s4.s8 v3;
	s23 =	sadd.s32 s5, s21;
	s0 =	sshrl.u32 s24, $0x3;
	[smem:$0x7F8] =	sst s22  }
0x38: {  	v9 =	vimm.s32 $0x76543210;
	vm0 =	vmmov $0xffff;
	v8 =	vunpack.c.l.s4.s8 v8;
	s11 =	simm.s32 $0x980;
	[smem:$0x7F9] =	sst s23;
	s0 =	sadd.s32 s5, s0  }
0x39: {  	v3 =	vcombine.low v5, v4;
	v4 =	vunpack.c.0.s8.s32 v6;
	v6 =	vimm.s32 $0xBA98FEDC;
	s9 =	sadd.s32 $0x100, s4;
	[smem:$0x7EF] =	sst s0;
	s0 =	sadd.s32 s5, s28  }
0x3a: {  	v9 =	vunpack.c.l.s4.s8 v9;
	v5 =	vunpack.c.0.s8.s32 v7;
	v7 =	vimm.s32 $0x32107654;
	s16 =	sadd.s32 $0x200, s4;
	s24 =	sadd.s32 $0x600, s20;
	[smem:$0x7F1] =	sst s0  }
.Ltmp0:
0x3b: {  	v10 =	vshrl.u32 v0, $0x3;
	v6 =	vunpack.c.l.s4.s8 v6;
	v7 =	vunpack.c.l.s4.s8 v7;
	_ =	strace $0x80000047;
	[smem:$0x7FA] =	sst s24;
	(pc) =	sbr.rel .LBB2_1-.Ltmp0, $4  }
0x3c: {  	v8 =	vunpack.c.0.s8.s32 v8;
	v9 =	vunpack.c.0.s8.s32 v9;
	v4 =	vcombine.low v5, v4;
	s10 =	sadd.s32 $0x300, s4;
	s28 =	smax.u32 s6, $0x1;
	[smem:$0x7FB] =	sst s25  }
0x3d: {  	v11 =	vunpack.c.0.s8.s32 v6;
	v5 =	vand.u32 $0x7, v0;
	v7 =	vunpack.c.0.s8.s32 v7;
	s22 =	simm.s32 $0xF980;
	s23 =	simm.s32 $0xA;
	[smem:$0x7FC] =	sst s28  }
0x3e: {  	v6 =	vmul.u32 $0x8, v10;
	v10 =	vand.u32 $0xF, v8;
	v8 =	vor.u32 $0x8, v0;
	s5 =	simm.s32 $0x200;
	s6 =	simm.s32 $0xE;
	[dreg:$0x16] =	wrdreg s12  }
0x3f: {  	v9 =	vcombine.low v10, v9;
	v10 =	vimm.s32 $0x0;
	v7 =	vcombine.low v7, v11;
	[smem:$0x7FD] =	sst s31;
	s25 =	simm.s32 $0x10180;
	s24 =	simm.s32 $0x9  }
.LBB2_5:
0x40: {  	s0 =	sld [smem:$0x7FC];
	_ =	sdelay $0x1  }
0x41: {  	s29 =	sadd.s32 $0x1, s29  }
0x42: {  	p0 =	sne.s32 s29, s0  }
.Ltmp1:
0x43: {  	_ = 	snop;
	(pc) =	sbr.rel @!p0 .LBB2_6-.Ltmp1, $2  }
0x44: {  	_ =	sdelay $0x2  }
0x45: {  	s5 =	simm.s32 $0x200  }
.LBB2_1:
0x46: {  	s0 =	rddreg [dreg:$0x8];
	s3 =	simm.s32 $0x80  }
0x47: {  	[tilespmem:s1], [sflag:$0xE] =	stream.strided.gather [hbm4b:s0+s3], $0x800, s5, s3, $0x38;
	[tilespmem:$0x1CA00] =	vst v63  }
0x48: {  	_ =	swait.ge [sflag:s6], $0x800  }
0x49: {  	s5 =	sld [smem:$0x7FA]  }
0x4a: {  	[sflag:s6] =	ssyncset.done $0x0  }
0x4b: {  	s8 =	simm.s32 $0x800;
	[sflag:s6] =	ssyncadd.s32 $0xFFFFF800  }
0x4c: {  	[tilespmem:s8], [sflag:$0xE] =	stream.linear.gather [hbm4b:s5+s1], $0x80, $0x38;
	[tilespmem:$0x1CA00] =	vst v63  }
0x4d: {  	_ =	swait.ge [sflag:s6], $0x80  }
0x4e: {  	[sflag:s6] =	ssyncset.done $0x0  }
0x4f: {  	s12 =	rddreg [dreg:$0x7];
	[sflag:s6] =	ssyncadd.s32 $0xFFFFFF80  }
0x50: {  	v11 =	vld [tilespmem:s12+$0x0];
	_ =	sdelay $0x4  }
0x51: {  	v12 =	vshll.u32 v11, $0x3  }
0x52: {  	v11 =	vand.u32 $0x7, v11;
	v12 =	vand.u32 $0xFFFFFFC0, v12  }
0x53: {  	v12 =	vor.u32 v11, v12  }
0x54: {  	v11 =	vperm.xlane v12, v5;
	_ =	sdelay $0x1  }
0x55: {  	v13 =	vadd.s32 v6, v11;
	_ =	sdelay $0x4  }
0x56: {  	v11 =	vld [tilespmem:$0x800];
	[tilespmem:s11], [sflag:$0x1] =	stream.indirect_vreg.gather [hbm4b:s4+s1], $0x80, v13, vm0, $0xb8  }
0x57: {  	s13 =	simm.s32 $0x1180;
	v12 =	vperm.xlane v12, v8  }
0x58: {  	[tilespmem:s13], [sflag:$0x1] =	stream.indirect_vreg.gather [hbm4b:s9+s1], $0x80, v13, vm0, $0xb8;
	[tilespmem:$0x1CA00] =	vst v63  }
0x59: {  	s14 =	simm.s32 $0x1980;
	v12 =	vadd.s32 v6, v12  }
0x5a: {  	[tilespmem:s14], [sflag:$0x1] =	stream.indirect_vreg.gather [hbm4b:s16+s1], $0x80, v13, vm0, $0xb8;
	[tilespmem:$0x1CA00] =	vst v63  }
0x5b: {  	s15 =	simm.s32 $0x2180  }
0x5c: {  	[tilespmem:s15], [sflag:$0x1] =	stream.indirect_vreg.gather [hbm4b:s10+s1], $0x80, v13, vm0, $0xb8;
	[tilespmem:$0x1CA00] =	vst v63  }
0x5d: {  	s17 =	simm.s32 $0x2980  }
0x5e: {  	[tilespmem:s17], [sflag:$0x1] =	stream.indirect_vreg.gather [hbm4b:s4+s1], $0x80, v12, vm0, $0xb8;
	[tilespmem:$0x1CA00] =	vst v63  }
0x5f: {  	s18 =	simm.s32 $0x3180  }
0x60: {  	[tilespmem:s18], [sflag:$0x1] =	stream.indirect_vreg.gather [hbm4b:s9+s1], $0x80, v12, vm0, $0xb8;
	[tilespmem:$0x1CA00] =	vst v63  }
0x61: {  	s19 =	simm.s32 $0x3980  }
0x62: {  	[tilespmem:s19], [sflag:$0x1] =	stream.indirect_vreg.gather [hbm4b:s16+s1], $0x80, v12, vm0, $0xb8;
	[tilespmem:$0x1CA00] =	vst v63  }
0x63: {  	s20 =	simm.s32 $0x4180;
	s21 =	rddreg [dreg:$0x9]  }
0x64: {  	[tilespmem:s20], [sflag:$0x1] =	stream.indirect_vreg.gather [hbm4b:s10+s1], $0x80, v12, vm0, $0xb8;
	[tilespmem:$0x1CA00] =	vst v63  }
0x65: {  	v12 =	vld [tilespmem:s21+$0x0];
	_ =	sdelay $0x4  }
0x66: {  	v13 =	vshll.u32 v12, $0x3  }
0x67: {  	v12 =	vand.u32 $0x7, v12;
	v13 =	vand.u32 $0xFFFFFFC0, v13  }
0x68: {  	v12 =	vor.u32 v12, v13  }
0x69: {  	v13 =	vperm.xlane v12, v5;
	_ =	sdelay $0x1  }
0x6a: {  	v13 =	vadd.s32 v6, v13;
	_ =	sdelay $0x3  }
0x6b: {  	s3 =	simm.s32 $0x4980  }
0x6c: {  	[tilespmem:s3], [sflag:$0x2] =	stream.indirect_vreg.gather [hbm4b:s4+s1], $0x80, v13, vm0, $0xb8;
	[tilespmem:$0x1CA00] =	vst v63  }
0x6d: {  	s5 =	simm.s32 $0x5180;
	v12 =	vperm.xlane v12, v8  }
0x6e: {  	[tilespmem:s5], [sflag:$0x2] =	stream.indirect_vreg.gather [hbm4b:s9+s1], $0x80, v13, vm0, $0xb8;
	[tilespmem:$0x1CA00] =	vst v63  }
0x6f: {  	s8 =	simm.s32 $0x5980;
	v12 =	vadd.s32 v6, v12  }
0x70: {  	[tilespmem:s8], [sflag:$0x2] =	stream.indirect_vreg.gather [hbm4b:s16+s1], $0x80, v13, vm0, $0xb8;
	[tilespmem:$0x1CA00] =	vst v63  }
0x71: {  	s11 =	simm.s32 $0x6180  }
0x72: {  	[tilespmem:s11], [sflag:$0x2] =	stream.indirect_vreg.gather [hbm4b:s10+s1], $0x80, v13, vm0, $0xb8;
	[tilespmem:$0x1CA00] =	vst v63  }
0x73: {  	s12 =	simm.s32 $0x6980  }
0x74: {  	[tilespmem:s12], [sflag:$0x2] =	stream.indirect_vreg.gather [hbm4b:s4+s1], $0x80, v12, vm0, $0xb8;
	[tilespmem:$0x1CA00] =	vst v63  }
0x75: {  	s13 =	simm.s32 $0x7180  }
0x76: {  	[tilespmem:s13], [sflag:$0x2] =	stream.indirect_vreg.gather [hbm4b:s9+s1], $0x80, v12, vm0, $0xb8;
	[tilespmem:$0x1CA00] =	vst v63  }
0x77: {  	s14 =	simm.s32 $0x7980  }
0x78: {  	[tilespmem:s14], [sflag:$0x2] =	stream.indirect_vreg.gather [hbm4b:s16+s1], $0x80, v12, vm0, $0xb8;
	[tilespmem:$0x1CA00] =	vst v63  }
0x79: {  	s15 =	simm.s32 $0x8180;
	s17 =	rddreg [dreg:$0xa]  }
0x7a: {  	[tilespmem:s15], [sflag:$0x2] =	stream.indirect_vreg.gather [hbm4b:s10+s1], $0x80, v12, vm0, $0xb8;
	[tilespmem:$0x1CA00] =	vst v63  }
0x7b: {  	v12 =	vld [tilespmem:s17+$0x0];
	_ =	sdelay $0x4  }
0x7c: {  	v13 =	vshll.u32 v12, $0x3  }
0x7d: {  	v12 =	vand.u32 $0x7, v12;
	v13 =	vand.u32 $0xFFFFFFC0, v13  }
0x7e: {  	v12 =	vor.u32 v12, v13  }
0x7f: {  	v13 =	vperm.xlane v12, v5;
	_ =	sdelay $0x1  }
0x80: {  	v13 =	vadd.s32 v6, v13;
	_ =	sdelay $0x4  }
0x81: {  	[tilespmem:s7], [sflag:$0x3] =	stream.indirect_vreg.gather [hbm4b:s4+s1], $0x80, v13, vm0, $0xb8;
	[tilespmem:$0x1CA00] =	vst v63  }
0x82: {  	s18 =	simm.s32 $0x9180;
	v12 =	vperm.xlane v12, v8  }
0x83: {  	[tilespmem:s18], [sflag:$0x3] =	stream.indirect_vreg.gather [hbm4b:s9+s1], $0x80, v13, vm0, $0xb8;
	[tilespmem:$0x1CA00] =	vst v63  }
0x84: {  	s19 =	simm.s32 $0x9980;
	v12 =	vadd.s32 v6, v12  }
0x85: {  	[tilespmem:s19], [sflag:$0x3] =	stream.indirect_vreg.gather [hbm4b:s16+s1], $0x80, v13, vm0, $0xb8;
	[tilespmem:$0x1CA00] =	vst v63  }
0x86: {  	s20 =	simm.s32 $0xA180  }
0x87: {  	[tilespmem:s20], [sflag:$0x3] =	stream.indirect_vreg.gather [hbm4b:s10+s1], $0x80, v13, vm0, $0xb8;
	[tilespmem:$0x1CA00] =	vst v63  }
0x88: {  	s21 =	simm.s32 $0xA980  }
0x89: {  	[tilespmem:s21], [sflag:$0x3] =	stream.indirect_vreg.gather [hbm4b:s4+s1], $0x80, v12, vm0, $0xb8;
	[tilespmem:$0x1CA00] =	vst v63  }
0x8a: {  	s3 =	simm.s32 $0xB180  }
0x8b: {  	[tilespmem:s3], [sflag:$0x3] =	stream.indirect_vreg.gather [hbm4b:s9+s1], $0x80, v12, vm0, $0xb8;
	[tilespmem:$0x1CA00] =	vst v63  }
0x8c: {  	s5 =	simm.s32 $0xB980  }
0x8d: {  	[tilespmem:s5], [sflag:$0x3] =	stream.indirect_vreg.gather [hbm4b:s16+s1], $0x80, v12, vm0, $0xb8;
	[tilespmem:$0x1CA00] =	vst v63  }
0x8e: {  	s8 =	rddreg [dreg:$0xb];
	s7 =	simm.s32 $0xC180  }
0x8f: {  	[tilespmem:s7], [sflag:$0x3] =	stream.indirect_vreg.gather [hbm4b:s10+s1], $0x80, v12, vm0, $0xb8;
	[tilespmem:$0x1CA00] =	vst v63  }
0x90: {  	v12 =	vld [tilespmem:s8+$0x0];
	_ =	sdelay $0x4  }
0x91: {  	v13 =	vshll.u32 v12, $0x3  }
0x92: {  	v12 =	vand.u32 $0x7, v12;
	v13 =	vand.u32 $0xFFFFFFC0, v13  }
0x93: {  	v12 =	vor.u32 v12, v13  }
0x94: {  	v13 =	vperm.xlane v12, v5;
	_ =	sdelay $0x1  }
0x95: {  	v13 =	vadd.s32 v6, v13;
	_ =	sdelay $0x4  }
0x96: {  	[tilespmem:s2], [sflag:$0x4] =	stream.indirect_vreg.gather [hbm4b:s4+s1], $0x80, v13, vm0, $0xb8;
	[tilespmem:$0x1CA00] =	vst v63  }
0x97: {  	s11 =	simm.s32 $0xD180;
	v12 =	vperm.xlane v12, v8  }
0x98: {  	[tilespmem:s11], [sflag:$0x4] =	stream.indirect_vreg.gather [hbm4b:s9+s1], $0x80, v13, vm0, $0xb8;
	[tilespmem:$0x1CA00] =	vst v63  }
0x99: {  	s12 =	simm.s32 $0xD980;
	v12 =	vadd.s32 v6, v12  }
0x9a: {  	[tilespmem:s12], [sflag:$0x4] =	stream.indirect_vreg.gather [hbm4b:s16+s1], $0x80, v13, vm0, $0xb8;
	[tilespmem:$0x1CA00] =	vst v63  }
0x9b: {  	s13 =	simm.s32 $0xE180  }
0x9c: {  	[tilespmem:s13], [sflag:$0x4] =	stream.indirect_vreg.gather [hbm4b:s10+s1], $0x80, v13, vm0, $0xb8;
	[tilespmem:$0x1CA00] =	vst v63  }
0x9d: {  	s14 =	simm.s32 $0xE980  }
0x9e: {  	[tilespmem:s14], [sflag:$0x4] =	stream.indirect_vreg.gather [hbm4b:s4+s1], $0x80, v12, vm0, $0xb8;
	[tilespmem:$0x1CA00] =	vst v63  }
0x9f: {  	_ = 	snop  }
0xa0: {  	[tilespmem:s30], [sflag:$0x4] =	stream.indirect_vreg.gather [hbm4b:s9+s1], $0x80, v12, vm0, $0xb8;
	[tilespmem:$0x1CA00] =	vst v63  }
0xa1: {  	_ = 	snop  }
0xa2: {  	[tilespmem:s22], [sflag:$0x4] =	stream.indirect_vreg.gather [hbm4b:s16+s1], $0x80, v12, vm0, $0xb8;
	[tilespmem:$0x1CA00] =	vst v63  }
0xa3: {  	s15 =	rddreg [dreg:$0xc]  }
0xa4: {  	[tilespmem:s25], [sflag:$0x4] =	stream.indirect_vreg.gather [hbm4b:s10+s1], $0x80, v12, vm0, $0xb8;
	[tilespmem:$0x1CA00] =	vst v63  }
0xa5: {  	v12 =	vld [tilespmem:s15+$0x0];
	_ =	sdelay $0x4  }
0xa6: {  	v13 =	vshll.u32 v12, $0x3  }
0xa7: {  	v12 =	vand.u32 $0x7, v12;
	v13 =	vand.u32 $0xFFFFFFC0, v13  }
0xa8: {  	v12 =	vor.u32 v12, v13  }
0xa9: {  	v13 =	vperm.xlane v12, v5;
	_ =	sdelay $0x1  }
0xaa: {  	v13 =	vadd.s32 v6, v13;
	_ =	sdelay $0x3  }
0xab: {  	s17 =	simm.s32 $0x10980  }
0xac: {  	[tilespmem:s17], [sflag:$0x5] =	stream.indirect_vreg.gather [hbm4b:s4+s1], $0x80, v13, vm0, $0xb8;
	[tilespmem:$0x1CA00] =	vst v63  }
0xad: {  	s18 =	simm.s32 $0x11180;
	v12 =	vperm.xlane v12, v8  }
0xae: {  	[tilespmem:s18], [sflag:$0x5] =	stream.indirect_vreg.gather [hbm4b:s9+s1], $0x80, v13, vm0, $0xb8;
	[tilespmem:$0x1CA00] =	vst v63  }
0xaf: {  	s19 =	simm.s32 $0x11980;
	v12 =	vadd.s32 v6, v12  }
0xb0: {  	[tilespmem:s19], [sflag:$0x5] =	stream.indirect_vreg.gather [hbm4b:s16+s1], $0x80, v13, vm0, $0xb8;
	[tilespmem:$0x1CA00] =	vst v63  }
0xb1: {  	s20 =	simm.s32 $0x12180  }
0xb2: {  	[tilespmem:s20], [sflag:$0x5] =	stream.indirect_vreg.gather [hbm4b:s10+s1], $0x80, v13, vm0, $0xb8;
	[tilespmem:$0x1CA00] =	vst v63  }
0xb3: {  	s21 =	simm.s32 $0x12980  }
0xb4: {  	[tilespmem:s21], [sflag:$0x5] =	stream.indirect_vreg.gather [hbm4b:s4+s1], $0x80, v12, vm0, $0xb8;
	[tilespmem:$0x1CA00] =	vst v63  }
0xb5: {  	s22 =	simm.s32 $0x13180  }
0xb6: {  	[tilespmem:s22], [sflag:$0x5] =	stream.indirect_vreg.gather [hbm4b:s9+s1], $0x80, v12, vm0, $0xb8;
	[tilespmem:$0x1CA00] =	vst v63  }
0xb7: {  	s25 =	simm.s32 $0x13980  }
0xb8: {  	[tilespmem:s25], [sflag:$0x5] =	stream.indirect_vreg.gather [hbm4b:s16+s1], $0x80, v12, vm0, $0xb8;
	[tilespmem:$0x1CA00] =	vst v63  }
0xb9: {  	s30 =	simm.s32 $0x14180  }
0xba: {  	[tilespmem:s30], [sflag:$0x5] =	stream.indirect_vreg.gather [hbm4b:s10+s1], $0x80, v12, vm0, $0xb8;
	[tilespmem:$0x1CA00] =	vst v63  }
0xbb: {  	v14 =	vld [tilespmem:s1+$0x0];
	_ =	sdelay $0x4  }
0xbc: {  	s28 =	simm.s32 $0x10;
	s31 =	simm.s32 $0x10;
	v13 =	vor.u32 s1, v0;
	v12 =	vimm.s32 $0x800;
	vm1 =	veq.s32 v14, v11  }
.LBB2_2:
0xbd: {  	v14 =	vld [tilespmem:s31+$0x0];
	p0 =	sne.s32 s28, $0x7F0;
	v13 =	vnsel vm1, $0x800, v13;
	s0 =	smov.u32 s28;
	s28 =	sadd.s32 $0x10, s28  }
.Ltmp2:
0xbe: {  	vm1 =	vlt.s32 v12, v13;
	(pc) =	sbr.rel @p0 .LBB2_2-.Ltmp2, $2  }
0xbf: {  	v12 =	vsel vm1, v12, v13;
	_ =	sdelay $0x2  }
0xc0: {  	s31 =	sadd.s32 $0x10, s31;
	v13 =	vor.u32 s0, v0;
	vm1 =	veq.s32 v14, v11  }
0xc1: {  	s0 =	sld [smem:$0x7FB];
	_ =	sdelay $0x2  }
0xc2: {  	v11 =	vld [tilespmem:s0+$0x0];
	_ =	sdelay $0x4  }
0xc3: {  	vm2 =	vne.s32 v11, $0xFFFFFF9C  }
0xc4: {  	v11 =	vsel vm2, $0x1, v10  }
0xc5: {  	[tilespmem:$0x880] =	vst v11  }
0xc6: {  	v11 =	vld [tilespmem:s0+$0x10];
	_ =	sdelay $0x4  }
0xc7: {  	vm2 =	vne.s32 v11, $0xFFFFFF9C  }
0xc8: {  	v11 =	vsel vm2, $0x1, v10  }
0xc9: {  	[tilespmem:$0x890] =	vst v11  }
0xca: {  	v11 =	vld [tilespmem:s0+$0x20];
	_ =	sdelay $0x4  }
0xcb: {  	vm2 =	vne.s32 v11, $0xFFFFFF9C  }
0xcc: {  	v11 =	vsel vm2, $0x1, v10  }
0xcd: {  	[tilespmem:$0x8A0] =	vst v11  }
0xce: {  	v11 =	vld [tilespmem:s0+$0x30];
	_ =	sdelay $0x4  }
0xcf: {  	vm2 =	vne.s32 v11, $0xFFFFFF9C  }
0xd0: {  	v11 =	vsel vm2, $0x1, v10  }
0xd1: {  	[tilespmem:$0x8B0] =	vst v11  }
0xd2: {  	v11 =	vld [tilespmem:s0+$0x40];
	_ =	sdelay $0x4  }
0xd3: {  	vm2 =	vne.s32 v11, $0xFFFFFF9C  }
0xd4: {  	v11 =	vsel vm2, $0x1, v10  }
0xd5: {  	[tilespmem:$0x8C0] =	vst v11  }
0xd6: {  	v11 =	vld [tilespmem:s0+$0x50];
	_ =	sdelay $0x4  }
0xd7: {  	vm2 =	vne.s32 v11, $0xFFFFFF9C  }
0xd8: {  	v11 =	vsel vm2, $0x1, v10  }
0xd9: {  	[tilespmem:$0x8D0] =	vst v11  }
0xda: {  	v11 =	vld [tilespmem:s0+$0x60];
	_ =	sdelay $0x4  }
0xdb: {  	vm2 =	vne.s32 v11, $0xFFFFFF9C  }
0xdc: {  	v11 =	vsel vm2, $0x1, v10  }
0xdd: {  	[tilespmem:$0x8E0] =	vst v11  }
0xde: {  	v11 =	vld [tilespmem:s0+$0x70];
	_ =	sdelay $0x4  }
0xdf: {  	vm2 =	vne.s32 v11, $0xFFFFFF9C  }
0xe0: {  	v11 =	vsel vm2, $0x1, v10  }
0xe1: {  	s31 =	rddreg [dreg:$0x10];
	[tilespmem:$0x8F0] =	vst v11  }
0xe2: {  	v11 =	vld [tilespmem:s31+$0x0];
	_ =	sdelay $0x4  }
0xe3: {  	vm2 =	vne.s32 v11, $0xFFFFFF9C  }
0xe4: {  	v11 =	vsel vm2, $0x1, v10  }
0xe5: {  	s3 =	rddreg [dreg:$0x1a];
	[tilespmem:$0x900] =	vst v11  }
0xe6: {  	v11 =	vld [tilespmem:s3+$0x0];
	_ =	sdelay $0x4  }
0xe7: {  	vm2 =	vne.s32 v11, $0xFFFFFF9C  }
0xe8: {  	v11 =	vsel vm2, $0x1, v10  }
0xe9: {  	s18 =	rddreg [dreg:$0x1d];
	[tilespmem:$0x910] =	vst v11  }
0xea: {  	v11 =	vld [tilespmem:s18+$0x0];
	_ =	sdelay $0x4  }
0xeb: {  	vm2 =	vne.s32 v11, $0xFFFFFF9C  }
0xec: {  	v11 =	vsel vm2, $0x1, v10  }
0xed: {  	s19 =	rddreg [dreg:$0x1e];
	[tilespmem:$0x920] =	vst v11  }
0xee: {  	v11 =	vld [tilespmem:s19+$0x0];
	_ =	sdelay $0x4  }
0xef: {  	v13 =	vnsel vm1, $0x800, v13;
	s22 =	sld [smem:$0x7F0];
	vm1 =	vne.s32 v11, $0xFFFFFF9C  }
0xf0: {  	v11 =	vsel vm1, $0x1, v10;
	vm1 =	vlt.s32 v12, v13  }
0xf1: {  	v12 =	vsel vm1, v12, v13;
	[tilespmem:$0x930] =	vst v11  }
0xf2: {  	v11 =	vperm.xlane v12, v3;
	v40 =	vld [tilespmem:s22+$0x0];
	_ =	sdelay $0x1  }
0xf3: {  	vm1 =	vlt.s32 v12, v11  }
0xf4: {  	v11 =	vsel vm1, v12, v11  }
0xf5: {  	v12 =	vperm.xlane v11, v4  }
0xf6: {  	s5 =	sld [smem:$0x7F2];
	vm1 =	vne.s32 v40, $0xFFFFFF9C  }
0xf7: {  	v13 =	vsel vm1, $0x1, v10;
	vm1 =	vlt.s32 v11, v12  }
0xf8: {  	v11 =	vsel vm1, v11, v12;
	[tilespmem:$0x940] =	vst v13  }
0xf9: {  	v12 =	vperm.xlane v11, v7;
	v13 =	vld [tilespmem:s5+$0x0];
	_ =	sdelay $0x1  }
0xfa: {  	vm1 =	vlt.s32 v11, v12  }
0xfb: {  	v11 =	vsel vm1, v11, v12  }
0xfc: {  	v12 =	vperm.xlane v11, v9  }
0xfd: {  	vm1 =	vne.s32 v13, $0xFFFFFF9C  }
0xfe: {  	s28 =	sld [smem:$0x7F4];
	v13 =	vsel vm1, $0x1, v10;
	vm1 =	vlt.s32 v11, v12  }
0xff: {  	v11 =	vsel vm1, v11, v12  }
0x100: {  	[tilespmem:$0x950] =	vst v13;
	(v2sf) =	vpush v11, $0x0  }
0x101: {  	v41 =	vld [tilespmem:s28+$0x0];
	_ =	sdelay $0x4  }
0x102: {  	s14 =	sld [smem:$0x7F6];
	vm1 =	vne.s32 v41, $0xFFFFFF9C  }
0x103: {  	v12 =	vsel vm1, $0x1, v10  }
0x104: {  	[tilespmem:$0x960] =	vst v12  }
0x105: {  	v12 =	vld [tilespmem:s14+$0x0];
	_ =	sdelay $0x4  }
0x106: {  	vm1 =	vne.s32 v12, $0xFFFFFF9C  }
0x107: {  	s17 =	rddreg [dreg:$0x11];
	s12 =	simm.s32 $0x80;
	v12 =	vsel vm1, $0x1, v10;
	s15 =	spop (v2sf)  }
0x108: {  	s11 =	simm.s32 $0x200;
	s2 =	simm.s32 $0x880;
	[tilespmem:$0x970] =	vst v12;
	[smem:$0x7EE] =	sst s15  }
0x109: {  	[hbm4b:s17+s12] =	stream.strided.scatter [tilespmem:s2], [sflag:$0xE], $0x100, s11, s12, $0x38;
	[tilespmem:$0x1CA00] =	vst v63  }
0x10a: {  	_ =	swait.ge [sflag:s6], $0x100  }
0x10b: {  	[sflag:s6] =	ssyncset.done $0x0  }
0x10c: {  	[sflag:s6] =	ssyncadd.s32 $0xFFFFFF00;
	s6 =	simm.s32 $0x1  }
0x10d: {  	_ =	swait.ge [sflag:s6], $0x4000  }
0x10e: {  	[sflag:s6] =	ssyncset.done $0x0;
	s20 =	rddreg [dreg:$0x12]  }
0x10f: {  	s11 =	simm.s32 $0x980;
	s21 =	rddreg [dreg:$0xd];
	[sflag:s6] =	ssyncadd.s32 $0xFFFFC000  }
0x110: {  	[hbm4b:s20+s1] =	stream.linear.scatter [tilespmem:s11], [sflag:$0x7], $0x4000, $0x38;
	[tilespmem:$0x1CA00] =	vst v63  }
0x111: {  	v42 =	vld [tilespmem:s21+$0x0];
	_ =	sdelay $0x4  }
0x112: {  	v43 =	vshll.u32 v42, $0x3  }
0x113: {  	v12 =	vand.u32 $0x7, v42;
	v13 =	vand.u32 $0xFFFFFFC0, v43  }
0x114: {  	v12 =	vor.u32 v12, v13  }
0x115: {  	v13 =	vperm.xlane v12, v5;
	_ =	sdelay $0x1  }
0x116: {  	v13 =	vadd.s32 v6, v13;
	_ =	sdelay $0x3  }
0x117: {  	s25 =	simm.s32 $0x14980  }
0x118: {  	[tilespmem:s25], [sflag:$0x6] =	stream.indirect_vreg.gather [hbm4b:s4+s1], $0x80, v13, vm0, $0xb8;
	[tilespmem:$0x1CA00] =	vst v63  }
0x119: {  	s2 =	simm.s32 $0x15180;
	v12 =	vperm.xlane v12, v8  }
0x11a: {  	[tilespmem:s2], [sflag:$0x6] =	stream.indirect_vreg.gather [hbm4b:s9+s1], $0x80, v13, vm0, $0xb8;
	[tilespmem:$0x1CA00] =	vst v63  }
0x11b: {  	s7 =	simm.s32 $0x15980;
	v12 =	vadd.s32 v6, v12  }
0x11c: {  	[tilespmem:s7], [sflag:$0x6] =	stream.indirect_vreg.gather [hbm4b:s16+s1], $0x80, v13, vm0, $0xb8;
	[tilespmem:$0x1CA00] =	vst v63  }
0x11d: {  	s8 =	simm.s32 $0x16180  }
0x11e: {  	[tilespmem:s8], [sflag:$0x6] =	stream.indirect_vreg.gather [hbm4b:s10+s1], $0x80, v13, vm0, $0xb8;
	[tilespmem:$0x1CA00] =	vst v63  }
0x11f: {  	s12 =	simm.s32 $0x16980  }
0x120: {  	[tilespmem:s12], [sflag:$0x6] =	stream.indirect_vreg.gather [hbm4b:s4+s1], $0x80, v12, vm0, $0xb8;
	[tilespmem:$0x1CA00] =	vst v63  }
0x121: {  	s13 =	simm.s32 $0x17180  }
0x122: {  	[tilespmem:s13], [sflag:$0x6] =	stream.indirect_vreg.gather [hbm4b:s9+s1], $0x80, v12, vm0, $0xb8;
	[tilespmem:$0x1CA00] =	vst v63  }
0x123: {  	s14 =	simm.s32 $0x17980  }
0x124: {  	[tilespmem:s14], [sflag:$0x6] =	stream.indirect_vreg.gather [hbm4b:s16+s1], $0x80, v12, vm0, $0xb8;
	[tilespmem:$0x1CA00] =	vst v63  }
0x125: {  	s15 =	simm.s32 $0x18180;
	s8 =	simm.s32 $0x2  }
0x126: {  	[tilespmem:s15], [sflag:$0x6] =	stream.indirect_vreg.gather [hbm4b:s10+s1], $0x80, v12, vm0, $0xb8;
	[tilespmem:$0x1CA00] =	vst v63  }
0x127: {  	_ =	swait.ge [sflag:s8], $0x4000  }
0x128: {  	s20 =	simm.s32 $0x4980;
	[sflag:s8] =	ssyncset.done $0x0  }
0x129: {  	s14 =	simm.s32 $0x7;
	s17 =	rddreg [dreg:$0x13];
	[sflag:s8] =	ssyncadd.s32 $0xFFFFC000  }
0x12a: {  	[hbm4b:s17+s1] =	stream.linear.scatter [tilespmem:s20], [sflag:$0x8], $0x4000, $0x38;
	[tilespmem:$0x1CA00] =	vst v63  }
0x12b: {  	_ =	swait.ge [sflag:s14], $0x4000  }
0x12c: {  	[sflag:s14] =	ssyncset.done $0x0  }
0x12d: {  	s21 =	rddreg [dreg:$0xe];
	[sflag:s14] =	ssyncadd.s32 $0xFFFFC000  }
0x12e: {  	v44 =	vld [tilespmem:s21+$0x0];
	_ =	sdelay $0x4  }
0x12f: {  	v45 =	vshll.u32 v44, $0x3  }
0x130: {  	v12 =	vand.u32 $0x7, v44;
	v13 =	vand.u32 $0xFFFFFFC0, v45  }
0x131: {  	v12 =	vor.u32 v12, v13  }
0x132: {  	v13 =	vperm.xlane v12, v5;
	_ =	sdelay $0x1  }
0x133: {  	v13 =	vadd.s32 v6, v13;
	_ =	sdelay $0x4  }
0x134: {  	[tilespmem:s11], [sflag:$0x1] =	stream.indirect_vreg.gather [hbm4b:s4+s1], $0x80, v13, vm0, $0xb8;
	[tilespmem:$0x1CA00] =	vst v63  }
0x135: {  	s25 =	simm.s32 $0x1180;
	v12 =	vperm.xlane v12, v8  }
0x136: {  	[tilespmem:s25], [sflag:$0x1] =	stream.indirect_vreg.gather [hbm4b:s9+s1], $0x80, v13, vm0, $0xb8;
	[tilespmem:$0x1CA00] =	vst v63  }
0x137: {  	s2 =	simm.s32 $0x1980;
	v12 =	vadd.s32 v6, v12  }
0x138: {  	[tilespmem:s2], [sflag:$0x1] =	stream.indirect_vreg.gather [hbm4b:s16+s1], $0x80, v13, vm0, $0xb8;
	[tilespmem:$0x1CA00] =	vst v63  }
0x139: {  	s7 =	simm.s32 $0x2180  }
0x13a: {  	[tilespmem:s7], [sflag:$0x1] =	stream.indirect_vreg.gather [hbm4b:s10+s1], $0x80, v13, vm0, $0xb8;
	[tilespmem:$0x1CA00] =	vst v63  }
0x13b: {  	s12 =	simm.s32 $0x2980  }
0x13c: {  	[tilespmem:s12], [sflag:$0x1] =	stream.indirect_vreg.gather [hbm4b:s4+s1], $0x80, v12, vm0, $0xb8;
	[tilespmem:$0x1CA00] =	vst v63  }
0x13d: {  	s13 =	simm.s32 $0x3180  }
0x13e: {  	[tilespmem:s13], [sflag:$0x1] =	stream.indirect_vreg.gather [hbm4b:s9+s1], $0x80, v12, vm0, $0xb8;
	[tilespmem:$0x1CA00] =	vst v63  }
0x13f: {  	s15 =	simm.s32 $0x3980  }
0x140: {  	[tilespmem:s15], [sflag:$0x1] =	stream.indirect_vreg.gather [hbm4b:s16+s1], $0x80, v12, vm0, $0xb8;
	[tilespmem:$0x1CA00] =	vst v63  }
0x141: {  	s17 =	simm.s32 $0x4180  }
0x142: {  	[tilespmem:s17], [sflag:$0x1] =	stream.indirect_vreg.gather [hbm4b:s10+s1], $0x80, v12, vm0, $0xb8;
	[tilespmem:$0x1CA00] =	vst v63  }
0x143: {  	s17 =	simm.s32 $0x3  }
0x144: {  	_ =	swait.ge [sflag:s17], $0x4000  }
0x145: {  	[sflag:s17] =	ssyncset.done $0x0  }
0x146: {  	s2 =	simm.s32 $0x8980;
	s20 =	rddreg [dreg:$0x14];
	[sflag:s17] =	ssyncadd.s32 $0xFFFFC000  }
0x147: {  	[hbm4b:s20+s1] =	stream.linear.scatter [tilespmem:s2], [sflag:$0x9], $0x4000, $0x38;
	[tilespmem:$0x1CA00] =	vst v63  }
0x148: {  	s20 =	simm.s32 $0x8  }
0x149: {  	_ =	swait.ge [sflag:s20], $0x4000  }
0x14a: {  	[sflag:s20] =	ssyncset.done $0x0  }
0x14b: {  	s21 =	rddreg [dreg:$0xf];
	[sflag:s20] =	ssyncadd.s32 $0xFFFFC000  }
0x14c: {  	v46 =	vld [tilespmem:s21+$0x0];
	_ =	sdelay $0x4  }
0x14d: {  	v47 =	vshll.u32 v46, $0x3  }
0x14e: {  	v12 =	vand.u32 $0x7, v46;
	v13 =	vand.u32 $0xFFFFFFC0, v47  }
0x14f: {  	v12 =	vor.u32 v12, v13  }
0x150: {  	v13 =	vperm.xlane v12, v5;
	_ =	sdelay $0x1  }
0x151: {  	v13 =	vadd.s32 v6, v13;
	_ =	sdelay $0x3  }
0x152: {  	s12 =	simm.s32 $0x4980  }
0x153: {  	[tilespmem:s12], [sflag:$0x2] =	stream.indirect_vreg.gather [hbm4b:s4+s1], $0x80, v13, vm0, $0xb8;
	[tilespmem:$0x1CA00] =	vst v63  }
0x154: {  	s25 =	simm.s32 $0x5180;
	v12 =	vperm.xlane v12, v8  }
0x155: {  	[tilespmem:s25], [sflag:$0x2] =	stream.indirect_vreg.gather [hbm4b:s9+s1], $0x80, v13, vm0, $0xb8;
	[tilespmem:$0x1CA00] =	vst v63  }
0x156: {  	s7 =	simm.s32 $0x5980;
	v12 =	vadd.s32 v6, v12  }
0x157: {  	[tilespmem:s7], [sflag:$0x2] =	stream.indirect_vreg.gather [hbm4b:s16+s1], $0x80, v13, vm0, $0xb8;
	[tilespmem:$0x1CA00] =	vst v63  }
0x158: {  	s13 =	simm.s32 $0x6180  }
0x159: {  	[tilespmem:s13], [sflag:$0x2] =	stream.indirect_vreg.gather [hbm4b:s10+s1], $0x80, v13, vm0, $0xb8;
	[tilespmem:$0x1CA00] =	vst v63  }
0x15a: {  	s15 =	simm.s32 $0x6980  }
0x15b: {  	[tilespmem:s15], [sflag:$0x2] =	stream.indirect_vreg.gather [hbm4b:s4+s1], $0x80, v12, vm0, $0xb8;
	[tilespmem:$0x1CA00] =	vst v63  }
0x15c: {  	s21 =	simm.s32 $0x7180  }
0x15d: {  	[tilespmem:s21], [sflag:$0x2] =	stream.indirect_vreg.gather [hbm4b:s9+s1], $0x80, v12, vm0, $0xb8;
	[tilespmem:$0x1CA00] =	vst v63  }
0x15e: {  	s25 =	simm.s32 $0x7980  }
0x15f: {  	[tilespmem:s25], [sflag:$0x2] =	stream.indirect_vreg.gather [hbm4b:s16+s1], $0x80, v12, vm0, $0xb8;
	[tilespmem:$0x1CA00] =	vst v63  }
0x160: {  	s7 =	simm.s32 $0x8180;
	s21 =	simm.s32 $0x4  }
0x161: {  	[tilespmem:s7], [sflag:$0x2] =	stream.indirect_vreg.gather [hbm4b:s10+s1], $0x80, v12, vm0, $0xb8;
	[tilespmem:$0x1CA00] =	vst v63  }
0x162: {  	_ =	swait.ge [sflag:s21], $0x4000  }
0x163: {  	[sflag:s21] =	ssyncset.done $0x0  }
0x164: {  	s15 =	simm.s32 $0xC980;
	s13 =	rddreg [dreg:$0x15];
	[sflag:s21] =	ssyncadd.s32 $0xFFFFC000  }
0x165: {  	[hbm4b:s13+s1] =	stream.linear.scatter [tilespmem:s15], [sflag:$0xA], $0x4000, $0x38;
	[tilespmem:$0x1CA00] =	vst v63  }
0x166: {  	_ =	swait.ge [sflag:s24], $0x4000  }
0x167: {  	[sflag:s24] =	ssyncset.done $0x0  }
0x168: {  	[sflag:s24] =	ssyncadd.s32 $0xFFFFC000  }
0x169: {  	v48 =	vld [tilespmem:s31+$0x0];
	_ =	sdelay $0x4  }
0x16a: {  	v49 =	vshll.u32 v48, $0x3  }
0x16b: {  	v12 =	vand.u32 $0x7, v48;
	v13 =	vand.u32 $0xFFFFFFC0, v49  }
0x16c: {  	v12 =	vor.u32 v12, v13  }
0x16d: {  	v13 =	vperm.xlane v12, v5;
	_ =	sdelay $0x1  }
0x16e: {  	v13 =	vadd.s32 v6, v13;
	_ =	sdelay $0x4  }
0x16f: {  	[tilespmem:s2], [sflag:$0x3] =	stream.indirect_vreg.gather [hbm4b:s4+s1], $0x80, v13, vm0, $0xb8;
	[tilespmem:$0x1CA00] =	vst v63  }
0x170: {  	s31 =	simm.s32 $0x9180;
	v12 =	vperm.xlane v12, v8  }
0x171: {  	[tilespmem:s31], [sflag:$0x3] =	stream.indirect_vreg.gather [hbm4b:s9+s1], $0x80, v13, vm0, $0xb8;
	[tilespmem:$0x1CA00] =	vst v63  }
0x172: {  	s25 =	simm.s32 $0x9980;
	v12 =	vadd.s32 v6, v12  }
0x173: {  	[tilespmem:s25], [sflag:$0x3] =	stream.indirect_vreg.gather [hbm4b:s16+s1], $0x80, v13, vm0, $0xb8;
	[tilespmem:$0x1CA00] =	vst v63  }
0x174: {  	s7 =	simm.s32 $0xA180  }
0x175: {  	[tilespmem:s7], [sflag:$0x3] =	stream.indirect_vreg.gather [hbm4b:s10+s1], $0x80, v13, vm0, $0xb8;
	[tilespmem:$0x1CA00] =	vst v63  }
0x176: {  	s13 =	simm.s32 $0xA980  }
0x177: {  	[tilespmem:s13], [sflag:$0x3] =	stream.indirect_vreg.gather [hbm4b:s4+s1], $0x80, v12, vm0, $0xb8;
	[tilespmem:$0x1CA00] =	vst v63  }
0x178: {  	s25 =	simm.s32 $0xB180  }
0x179: {  	[tilespmem:s25], [sflag:$0x3] =	stream.indirect_vreg.gather [hbm4b:s9+s1], $0x80, v12, vm0, $0xb8;
	[tilespmem:$0x1CA00] =	vst v63  }
0x17a: {  	s7 =	simm.s32 $0xB980  }
0x17b: {  	[tilespmem:s7], [sflag:$0x3] =	stream.indirect_vreg.gather [hbm4b:s16+s1], $0x80, v12, vm0, $0xb8;
	[tilespmem:$0x1CA00] =	vst v63  }
0x17c: {  	s30 =	simm.s32 $0x5;
	s13 =	simm.s32 $0xC180  }
0x17d: {  	[tilespmem:s13], [sflag:$0x3] =	stream.indirect_vreg.gather [hbm4b:s10+s1], $0x80, v12, vm0, $0xb8;
	[tilespmem:$0x1CA00] =	vst v63  }
0x17e: {  	_ =	swait.ge [sflag:s30], $0x4000  }
0x17f: {  	[sflag:s30] =	ssyncset.done $0x0  }
0x180: {  	s7 =	simm.s32 $0x10980;
	s25 =	rddreg [dreg:$0x17];
	[sflag:s30] =	ssyncadd.s32 $0xFFFFC000  }
0x181: {  	[hbm4b:s25+s1] =	stream.linear.scatter [tilespmem:s7], [sflag:$0xB], $0x4000, $0x38;
	[tilespmem:$0x1CA00] =	vst v63  }
0x182: {  	_ =	swait.ge [sflag:s23], $0x4000  }
0x183: {  	[sflag:s23] =	ssyncset.done $0x0  }
0x184: {  	[sflag:s23] =	ssyncadd.s32 $0xFFFFC000  }
0x185: {  	v50 =	vld [tilespmem:s3+$0x0];
	_ =	sdelay $0x4  }
0x186: {  	v51 =	vshll.u32 v50, $0x3  }
0x187: {  	v12 =	vand.u32 $0x7, v50;
	v13 =	vand.u32 $0xFFFFFFC0, v51  }
0x188: {  	v12 =	vor.u32 v12, v13  }
0x189: {  	v13 =	vperm.xlane v12, v5;
	_ =	sdelay $0x1  }
0x18a: {  	v13 =	vadd.s32 v6, v13;
	_ =	sdelay $0x4  }
0x18b: {  	[tilespmem:s15], [sflag:$0x4] =	stream.indirect_vreg.gather [hbm4b:s4+s1], $0x80, v13, vm0, $0xb8;
	[tilespmem:$0x1CA00] =	vst v63  }
0x18c: {  	s3 =	simm.s32 $0xD180;
	v12 =	vperm.xlane v12, v8  }
0x18d: {  	[tilespmem:s3], [sflag:$0x4] =	stream.indirect_vreg.gather [hbm4b:s9+s1], $0x80, v13, vm0, $0xb8;
	[tilespmem:$0x1CA00] =	vst v63  }
0x18e: {  	s13 =	simm.s32 $0xD980;
	v12 =	vadd.s32 v6, v12  }
0x18f: {  	[tilespmem:s13], [sflag:$0x4] =	stream.indirect_vreg.gather [hbm4b:s16+s1], $0x80, v13, vm0, $0xb8;
	[tilespmem:$0x1CA00] =	vst v63  }
0x190: {  	s25 =	simm.s32 $0xE180  }
0x191: {  	[tilespmem:s25], [sflag:$0x4] =	stream.indirect_vreg.gather [hbm4b:s10+s1], $0x80, v13, vm0, $0xb8;
	[tilespmem:$0x1CA00] =	vst v63  }
0x192: {  	s13 =	simm.s32 $0xE980  }
0x193: {  	[tilespmem:s13], [sflag:$0x4] =	stream.indirect_vreg.gather [hbm4b:s4+s1], $0x80, v12, vm0, $0xb8;
	[tilespmem:$0x1CA00] =	vst v63  }
0x194: {  	s25 =	simm.s32 $0xF180  }
0x195: {  	[tilespmem:s25], [sflag:$0x4] =	stream.indirect_vreg.gather [hbm4b:s9+s1], $0x80, v12, vm0, $0xb8;
	[tilespmem:$0x1CA00] =	vst v63  }
0x196: {  	s13 =	simm.s32 $0xF980  }
0x197: {  	[tilespmem:s13], [sflag:$0x4] =	stream.indirect_vreg.gather [hbm4b:s16+s1], $0x80, v12, vm0, $0xb8;
	[tilespmem:$0x1CA00] =	vst v63  }
0x198: {  	s25 =	simm.s32 $0x10180  }
0x199: {  	[tilespmem:s25], [sflag:$0x4] =	stream.indirect_vreg.gather [hbm4b:s10+s1], $0x80, v12, vm0, $0xb8;
	[tilespmem:$0x1CA00] =	vst v63  }
0x19a: {  	_ =	swait.ge [sflag:s26], $0x4000  }
0x19b: {  	[sflag:s26] =	ssyncset.done $0x0  }
0x19c: {  	s25 =	simm.s32 $0x14980;
	s13 =	rddreg [dreg:$0x18];
	[sflag:s26] =	ssyncadd.s32 $0xFFFFC000  }
0x19d: {  	[hbm4b:s13+s1] =	stream.linear.scatter [tilespmem:s25], [sflag:$0xC], $0x4000, $0x38;
	[tilespmem:$0x1CA00] =	vst v63  }
0x19e: {  	s13 =	simm.s32 $0xB  }
0x19f: {  	_ =	swait.ge [sflag:s13], $0x4000  }
0x1a0: {  	[sflag:s13] =	ssyncset.done $0x0  }
0x1a1: {  	[sflag:s13] =	ssyncadd.s32 $0xFFFFC000  }
0x1a2: {  	v52 =	vld [tilespmem:s18+$0x0];
	_ =	sdelay $0x4  }
0x1a3: {  	v53 =	vshll.u32 v52, $0x3  }
0x1a4: {  	v12 =	vand.u32 $0x7, v52;
	v13 =	vand.u32 $0xFFFFFFC0, v53  }
0x1a5: {  	v12 =	vor.u32 v12, v13  }
0x1a6: {  	v13 =	vperm.xlane v12, v5;
	_ =	sdelay $0x1  }
0x1a7: {  	v13 =	vadd.s32 v6, v13;
	_ =	sdelay $0x4  }
0x1a8: {  	[tilespmem:s7], [sflag:$0x5] =	stream.indirect_vreg.gather [hbm4b:s4+s1], $0x80, v13, vm0, $0xb8;
	[tilespmem:$0x1CA00] =	vst v63  }
0x1a9: {  	s18 =	simm.s32 $0x11180;
	v12 =	vperm.xlane v12, v8  }
0x1aa: {  	[tilespmem:s18], [sflag:$0x5] =	stream.indirect_vreg.gather [hbm4b:s9+s1], $0x80, v13, vm0, $0xb8;
	[tilespmem:$0x1CA00] =	vst v63  }
0x1ab: {  	v12 =	vadd.s32 v6, v12;
	s18 =	simm.s32 $0x11980  }
0x1ac: {  	[tilespmem:s18], [sflag:$0x5] =	stream.indirect_vreg.gather [hbm4b:s16+s1], $0x80, v13, vm0, $0xb8;
	[tilespmem:$0x1CA00] =	vst v63  }
0x1ad: {  	s18 =	simm.s32 $0x12180  }
0x1ae: {  	[tilespmem:s18], [sflag:$0x5] =	stream.indirect_vreg.gather [hbm4b:s10+s1], $0x80, v13, vm0, $0xb8;
	[tilespmem:$0x1CA00] =	vst v63  }
0x1af: {  	s18 =	simm.s32 $0x12980  }
0x1b0: {  	[tilespmem:s18], [sflag:$0x5] =	stream.indirect_vreg.gather [hbm4b:s4+s1], $0x80, v12, vm0, $0xb8;
	[tilespmem:$0x1CA00] =	vst v63  }
0x1b1: {  	s18 =	simm.s32 $0x13180  }
0x1b2: {  	[tilespmem:s18], [sflag:$0x5] =	stream.indirect_vreg.gather [hbm4b:s9+s1], $0x80, v12, vm0, $0xb8;
	[tilespmem:$0x1CA00] =	vst v63  }
0x1b3: {  	s18 =	simm.s32 $0x13980  }
0x1b4: {  	[tilespmem:s18], [sflag:$0x5] =	stream.indirect_vreg.gather [hbm4b:s16+s1], $0x80, v12, vm0, $0xb8;
	[tilespmem:$0x1CA00] =	vst v63  }
0x1b5: {  	s18 =	simm.s32 $0x14180  }
0x1b6: {  	[tilespmem:s18], [sflag:$0x5] =	stream.indirect_vreg.gather [hbm4b:s10+s1], $0x80, v12, vm0, $0xb8;
	[tilespmem:$0x1CA00] =	vst v63  }
0x1b7: {  	_ =	swait.ge [sflag:s6], $0x4000  }
0x1b8: {  	[sflag:s6] =	ssyncset.done $0x0  }
0x1b9: {  	s18 =	rddreg [dreg:$0x19];
	[sflag:s6] =	ssyncadd.s32 $0xFFFFC000  }
0x1ba: {  	[hbm4b:s18+s1] =	stream.linear.scatter [tilespmem:s11], [sflag:$0x7], $0x4000, $0x38;
	[tilespmem:$0x1CA00] =	vst v63  }
0x1bb: {  	s18 =	simm.s32 $0xC  }
0x1bc: {  	_ =	swait.ge [sflag:s18], $0x4000  }
0x1bd: {  	[sflag:s18] =	ssyncset.done $0x0  }
0x1be: {  	[sflag:s18] =	ssyncadd.s32 $0xFFFFC000  }
0x1bf: {  	v54 =	vld [tilespmem:s19+$0x0];
	_ =	sdelay $0x4  }
0x1c0: {  	v55 =	vshll.u32 v54, $0x3  }
0x1c1: {  	v12 =	vand.u32 $0x7, v54;
	v13 =	vand.u32 $0xFFFFFFC0, v55  }
0x1c2: {  	v12 =	vor.u32 v12, v13  }
0x1c3: {  	v13 =	vperm.xlane v12, v5;
	_ =	sdelay $0x1  }
0x1c4: {  	v13 =	vadd.s32 v6, v13;
	_ =	sdelay $0x4  }
0x1c5: {  	[tilespmem:s25], [sflag:$0x6] =	stream.indirect_vreg.gather [hbm4b:s4+s1], $0x80, v13, vm0, $0xb8;
	[tilespmem:$0x1CA00] =	vst v63  }
0x1c6: {  	v12 =	vperm.xlane v12, v8;
	s25 =	simm.s32 $0x15180  }
0x1c7: {  	[tilespmem:s25], [sflag:$0x6] =	stream.indirect_vreg.gather [hbm4b:s9+s1], $0x80, v13, vm0, $0xb8;
	[tilespmem:$0x1CA00] =	vst v63  }
0x1c8: {  	v12 =	vadd.s32 v6, v12;
	s25 =	simm.s32 $0x15980  }
0x1c9: {  	[tilespmem:s25], [sflag:$0x6] =	stream.indirect_vreg.gather [hbm4b:s16+s1], $0x80, v13, vm0, $0xb8;
	[tilespmem:$0x1CA00] =	vst v63  }
0x1ca: {  	s25 =	simm.s32 $0x16180  }
0x1cb: {  	[tilespmem:s25], [sflag:$0x6] =	stream.indirect_vreg.gather [hbm4b:s10+s1], $0x80, v13, vm0, $0xb8;
	[tilespmem:$0x1CA00] =	vst v63  }
0x1cc: {  	s25 =	simm.s32 $0x16980  }
0x1cd: {  	[tilespmem:s25], [sflag:$0x6] =	stream.indirect_vreg.gather [hbm4b:s4+s1], $0x80, v12, vm0, $0xb8;
	[tilespmem:$0x1CA00] =	vst v63  }
0x1ce: {  	s25 =	simm.s32 $0x17180  }
0x1cf: {  	[tilespmem:s25], [sflag:$0x6] =	stream.indirect_vreg.gather [hbm4b:s9+s1], $0x80, v12, vm0, $0xb8;
	[tilespmem:$0x1CA00] =	vst v63  }
0x1d0: {  	s25 =	simm.s32 $0x17980  }
0x1d1: {  	[tilespmem:s25], [sflag:$0x6] =	stream.indirect_vreg.gather [hbm4b:s16+s1], $0x80, v12, vm0, $0xb8;
	[tilespmem:$0x1CA00] =	vst v63  }
0x1d2: {  	s25 =	simm.s32 $0x18180  }
0x1d3: {  	[tilespmem:s25], [sflag:$0x6] =	stream.indirect_vreg.gather [hbm4b:s10+s1], $0x80, v12, vm0, $0xb8;
	[tilespmem:$0x1CA00] =	vst v63  }
0x1d4: {  	_ =	swait.ge [sflag:s8], $0x4000  }
0x1d5: {  	[sflag:s8] =	ssyncset.done $0x0  }
0x1d6: {  	s25 =	rddreg [dreg:$0x1b];
	[sflag:s8] =	ssyncadd.s32 $0xFFFFC000  }
0x1d7: {  	[hbm4b:s25+s1] =	stream.linear.scatter [tilespmem:s12], [sflag:$0x8], $0x4000, $0x38;
	[tilespmem:$0x1CA00] =	vst v63  }
0x1d8: {  	_ =	swait.ge [sflag:s14], $0x4000  }
0x1d9: {  	[sflag:s14] =	ssyncset.done $0x0  }
0x1da: {  	[sflag:s14] =	ssyncadd.s32 $0xFFFFC000  }
0x1db: {  	v56 =	vld [tilespmem:s22+$0x0];
	_ =	sdelay $0x4  }
0x1dc: {  	v57 =	vshll.u32 v56, $0x3  }
0x1dd: {  	v12 =	vand.u32 $0x7, v56;
	v13 =	vand.u32 $0xFFFFFFC0, v57  }
0x1de: {  	v12 =	vor.u32 v12, v13  }
0x1df: {  	v13 =	vperm.xlane v12, v5;
	_ =	sdelay $0x1  }
0x1e0: {  	v13 =	vadd.s32 v6, v13;
	_ =	sdelay $0x4  }
0x1e1: {  	[tilespmem:s11], [sflag:$0x1] =	stream.indirect_vreg.gather [hbm4b:s4+s1], $0x80, v13, vm0, $0xb8;
	[tilespmem:$0x1CA00] =	vst v63  }
0x1e2: {  	s22 =	simm.s32 $0x1180;
	v12 =	vperm.xlane v12, v8  }
0x1e3: {  	[tilespmem:s22], [sflag:$0x1] =	stream.indirect_vreg.gather [hbm4b:s9+s1], $0x80, v13, vm0, $0xb8;
	[tilespmem:$0x1CA00] =	vst v63  }
0x1e4: {  	s25 =	simm.s32 $0x1980;
	v12 =	vadd.s32 v6, v12  }
0x1e5: {  	[tilespmem:s25], [sflag:$0x1] =	stream.indirect_vreg.gather [hbm4b:s16+s1], $0x80, v13, vm0, $0xb8;
	[tilespmem:$0x1CA00] =	vst v63  }
0x1e6: {  	s12 =	simm.s32 $0x2180  }
0x1e7: {  	[tilespmem:s12], [sflag:$0x1] =	stream.indirect_vreg.gather [hbm4b:s10+s1], $0x80, v13, vm0, $0xb8;
	[tilespmem:$0x1CA00] =	vst v63  }
0x1e8: {  	s22 =	simm.s32 $0x2980  }
0x1e9: {  	[tilespmem:s22], [sflag:$0x1] =	stream.indirect_vreg.gather [hbm4b:s4+s1], $0x80, v12, vm0, $0xb8;
	[tilespmem:$0x1CA00] =	vst v63  }
0x1ea: {  	s25 =	simm.s32 $0x3180  }
0x1eb: {  	[tilespmem:s25], [sflag:$0x1] =	stream.indirect_vreg.gather [hbm4b:s9+s1], $0x80, v12, vm0, $0xb8;
	[tilespmem:$0x1CA00] =	vst v63  }
0x1ec: {  	s12 =	simm.s32 $0x3980  }
0x1ed: {  	[tilespmem:s12], [sflag:$0x1] =	stream.indirect_vreg.gather [hbm4b:s16+s1], $0x80, v12, vm0, $0xb8;
	[tilespmem:$0x1CA00] =	vst v63  }
0x1ee: {  	s22 =	simm.s32 $0x4180  }
0x1ef: {  	[tilespmem:s22], [sflag:$0x1] =	stream.indirect_vreg.gather [hbm4b:s10+s1], $0x80, v12, vm0, $0xb8;
	[tilespmem:$0x1CA00] =	vst v63  }
0x1f0: {  	_ =	swait.ge [sflag:s17], $0x4000  }
0x1f1: {  	[sflag:s17] =	ssyncset.done $0x0  }
0x1f2: {  	s25 =	rddreg [dreg:$0x1c];
	[sflag:s17] =	ssyncadd.s32 $0xFFFFC000  }
0x1f3: {  	[hbm4b:s25+s1] =	stream.linear.scatter [tilespmem:s2], [sflag:$0x9], $0x4000, $0x38;
	[tilespmem:$0x1CA00] =	vst v63  }
0x1f4: {  	_ =	swait.ge [sflag:s20], $0x4000  }
0x1f5: {  	[sflag:s20] =	ssyncset.done $0x0  }
0x1f6: {  	[sflag:s20] =	ssyncadd.s32 $0xFFFFC000  }
0x1f7: {  	v58 =	vld [tilespmem:s5+$0x0];
	_ =	sdelay $0x4  }
0x1f8: {  	v59 =	vshll.u32 v58, $0x3  }
0x1f9: {  	v12 =	vand.u32 $0x7, v58;
	v13 =	vand.u32 $0xFFFFFFC0, v59  }
0x1fa: {  	v12 =	vor.u32 v12, v13  }
0x1fb: {  	v13 =	vperm.xlane v12, v5;
	_ =	sdelay $0x1  }
0x1fc: {  	v13 =	vadd.s32 v6, v13;
	_ =	sdelay $0x3  }
0x1fd: {  	s12 =	simm.s32 $0x4980  }
0x1fe: {  	[tilespmem:s12], [sflag:$0x2] =	stream.indirect_vreg.gather [hbm4b:s4+s1], $0x80, v13, vm0, $0xb8;
	[tilespmem:$0x1CA00] =	vst v63  }
0x1ff: {  	s22 =	simm.s32 $0x5180;
	v12 =	vperm.xlane v12, v8  }
0x200: {  	[tilespmem:s22], [sflag:$0x2] =	stream.indirect_vreg.gather [hbm4b:s9+s1], $0x80, v13, vm0, $0xb8;
	[tilespmem:$0x1CA00] =	vst v63  }
0x201: {  	s25 =	simm.s32 $0x5980;
	v12 =	vadd.s32 v6, v12  }
0x202: {  	[tilespmem:s25], [sflag:$0x2] =	stream.indirect_vreg.gather [hbm4b:s16+s1], $0x80, v13, vm0, $0xb8;
	[tilespmem:$0x1CA00] =	vst v63  }
0x203: {  	s5 =	simm.s32 $0x6180  }
0x204: {  	[tilespmem:s5], [sflag:$0x2] =	stream.indirect_vreg.gather [hbm4b:s10+s1], $0x80, v13, vm0, $0xb8;
	[tilespmem:$0x1CA00] =	vst v63  }
0x205: {  	s22 =	simm.s32 $0x6980  }
0x206: {  	[tilespmem:s22], [sflag:$0x2] =	stream.indirect_vreg.gather [hbm4b:s4+s1], $0x80, v12, vm0, $0xb8;
	[tilespmem:$0x1CA00] =	vst v63  }
0x207: {  	s25 =	simm.s32 $0x7180  }
0x208: {  	[tilespmem:s25], [sflag:$0x2] =	stream.indirect_vreg.gather [hbm4b:s9+s1], $0x80, v12, vm0, $0xb8;
	[tilespmem:$0x1CA00] =	vst v63  }
0x209: {  	s5 =	simm.s32 $0x7980  }
0x20a: {  	[tilespmem:s5], [sflag:$0x2] =	stream.indirect_vreg.gather [hbm4b:s16+s1], $0x80, v12, vm0, $0xb8;
	[tilespmem:$0x1CA00] =	vst v63  }
0x20b: {  	s22 =	simm.s32 $0x8180  }
0x20c: {  	[tilespmem:s22], [sflag:$0x2] =	stream.indirect_vreg.gather [hbm4b:s10+s1], $0x80, v12, vm0, $0xb8;
	[tilespmem:$0x1CA00] =	vst v63  }
0x20d: {  	_ =	swait.ge [sflag:s21], $0x4000  }
0x20e: {  	[sflag:s21] =	ssyncset.done $0x0  }
0x20f: {  	s25 =	rddreg [dreg:$0x1f];
	[sflag:s21] =	ssyncadd.s32 $0xFFFFC000  }
0x210: {  	[hbm4b:s25+s1] =	stream.linear.scatter [tilespmem:s15], [sflag:$0xA], $0x4000, $0x38;
	[tilespmem:$0x1CA00] =	vst v63  }
0x211: {  	_ =	swait.ge [sflag:s24], $0x4000  }
0x212: {  	[sflag:s24] =	ssyncset.done $0x0  }
0x213: {  	[sflag:s24] =	ssyncadd.s32 $0xFFFFC000  }
0x214: {  	v60 =	vld [tilespmem:s28+$0x0];
	_ =	sdelay $0x4  }
0x215: {  	v61 =	vshll.u32 v60, $0x3  }
0x216: {  	v12 =	vand.u32 $0x7, v60;
	v13 =	vand.u32 $0xFFFFFFC0, v61  }
0x217: {  	v12 =	vor.u32 v12, v13  }
0x218: {  	v13 =	vperm.xlane v12, v5;
	_ =	sdelay $0x1  }
0x219: {  	v13 =	vadd.s32 v6, v13;
	_ =	sdelay $0x4  }
0x21a: {  	[tilespmem:s2], [sflag:$0x3] =	stream.indirect_vreg.gather [hbm4b:s4+s1], $0x80, v13, vm0, $0xb8;
	[tilespmem:$0x1CA00] =	vst v63  }
0x21b: {  	v12 =	vperm.xlane v12, v8  }
0x21c: {  	[tilespmem:s31], [sflag:$0x3] =	stream.indirect_vreg.gather [hbm4b:s9+s1], $0x80, v13, vm0, $0xb8;
	[tilespmem:$0x1CA00] =	vst v63  }
0x21d: {  	s28 =	simm.s32 $0x9980;
	v12 =	vadd.s32 v6, v12  }
0x21e: {  	[tilespmem:s28], [sflag:$0x3] =	stream.indirect_vreg.gather [hbm4b:s16+s1], $0x80, v13, vm0, $0xb8;
	[tilespmem:$0x1CA00] =	vst v63  }
0x21f: {  	s31 =	simm.s32 $0xA180  }
0x220: {  	[tilespmem:s31], [sflag:$0x3] =	stream.indirect_vreg.gather [hbm4b:s10+s1], $0x80, v13, vm0, $0xb8;
	[tilespmem:$0x1CA00] =	vst v63  }
0x221: {  	s5 =	simm.s32 $0xA980  }
0x222: {  	[tilespmem:s5], [sflag:$0x3] =	stream.indirect_vreg.gather [hbm4b:s4+s1], $0x80, v12, vm0, $0xb8;
	[tilespmem:$0x1CA00] =	vst v63  }
0x223: {  	s22 =	simm.s32 $0xB180  }
0x224: {  	[tilespmem:s22], [sflag:$0x3] =	stream.indirect_vreg.gather [hbm4b:s9+s1], $0x80, v12, vm0, $0xb8;
	[tilespmem:$0x1CA00] =	vst v63  }
0x225: {  	s25 =	simm.s32 $0xB980  }
0x226: {  	[tilespmem:s25], [sflag:$0x3] =	stream.indirect_vreg.gather [hbm4b:s16+s1], $0x80, v12, vm0, $0xb8;
	[tilespmem:$0x1CA00] =	vst v63  }
0x227: {  	s28 =	simm.s32 $0xC180  }
0x228: {  	[tilespmem:s28], [sflag:$0x3] =	stream.indirect_vreg.gather [hbm4b:s10+s1], $0x80, v12, vm0, $0xb8;
	[tilespmem:$0x1CA00] =	vst v63  }
0x229: {  	_ =	swait.ge [sflag:s30], $0x4000  }
0x22a: {  	s31 =	sld [smem:$0x7EF]  }
0x22b: {  	[sflag:s30] =	ssyncset.done $0x0  }
0x22c: {  	[sflag:s30] =	ssyncadd.s32 $0xFFFFC000  }
0x22d: {  	[hbm4b:s31+s1] =	stream.linear.scatter [tilespmem:s7], [sflag:$0xB], $0x4000, $0x38;
	[tilespmem:$0x1CA00] =	vst v63  }
0x22e: {  	_ =	swait.ge [sflag:s23], $0x4000  }
0x22f: {  	s5 =	sld [smem:$0x7F6]  }
0x230: {  	[sflag:s23] =	ssyncset.done $0x0  }
0x231: {  	[sflag:s23] =	ssyncadd.s32 $0xFFFFC000  }
0x232: {  	v62 =	vld [tilespmem:s5+$0x0];
	_ =	sdelay $0x4  }
0x233: {  	v63 =	vshll.u32 v62, $0x3  }
0x234: {  	v12 =	vand.u32 $0x7, v62;
	v13 =	vand.u32 $0xFFFFFFC0, v63  }
0x235: {  	v12 =	vor.u32 v12, v13  }
0x236: {  	v13 =	vperm.xlane v12, v5;
	_ =	sdelay $0x1  }
0x237: {  	v13 =	vadd.s32 v6, v13;
	_ =	sdelay $0x4  }
0x238: {  	[tilespmem:s15], [sflag:$0x4] =	stream.indirect_vreg.gather [hbm4b:s4+s1], $0x80, v13, vm0, $0xb8;
	[tilespmem:$0x1CA00] =	vst v63  }
0x239: {  	v12 =	vperm.xlane v12, v8  }
0x23a: {  	[tilespmem:s3], [sflag:$0x4] =	stream.indirect_vreg.gather [hbm4b:s9+s1], $0x80, v13, vm0, $0xb8;
	[tilespmem:$0x1CA00] =	vst v63  }
0x23b: {  	s7 =	simm.s32 $0xD980;
	v12 =	vadd.s32 v6, v12  }
0x23c: {  	[tilespmem:s7], [sflag:$0x4] =	stream.indirect_vreg.gather [hbm4b:s16+s1], $0x80, v13, vm0, $0xb8;
	[tilespmem:$0x1CA00] =	vst v63  }
0x23d: {  	s22 =	simm.s32 $0xE180  }
0x23e: {  	[tilespmem:s22], [sflag:$0x4] =	stream.indirect_vreg.gather [hbm4b:s10+s1], $0x80, v13, vm0, $0xb8;
	[tilespmem:$0x1CA00] =	vst v63  }
0x23f: {  	s25 =	simm.s32 $0xE980  }
0x240: {  	[tilespmem:s25], [sflag:$0x4] =	stream.indirect_vreg.gather [hbm4b:s4+s1], $0x80, v12, vm0, $0xb8;
	[tilespmem:$0x1CA00] =	vst v63  }
0x241: {  	s28 =	simm.s32 $0xF180  }
0x242: {  	[tilespmem:s28], [sflag:$0x4] =	stream.indirect_vreg.gather [hbm4b:s9+s1], $0x80, v12, vm0, $0xb8;
	[tilespmem:$0x1CA00] =	vst v63  }
0x243: {  	s31 =	simm.s32 $0xF980  }
0x244: {  	[tilespmem:s31], [sflag:$0x4] =	stream.indirect_vreg.gather [hbm4b:s16+s1], $0x80, v12, vm0, $0xb8;
	[tilespmem:$0x1CA00] =	vst v63  }
0x245: {  	s3 =	simm.s32 $0x10180  }
0x246: {  	[tilespmem:s3], [sflag:$0x4] =	stream.indirect_vreg.gather [hbm4b:s10+s1], $0x80, v12, vm0, $0xb8;
	[tilespmem:$0x1CA00] =	vst v63  }
0x247: {  	_ =	swait.ge [sflag:s26], $0x4000  }
0x248: {  	s5 =	sld [smem:$0x7F1]  }
0x249: {  	[sflag:s26] =	ssyncset.done $0x0  }
0x24a: {  	s19 =	simm.s32 $0x14980;
	[sflag:s26] =	ssyncadd.s32 $0xFFFFC000  }
0x24b: {  	[hbm4b:s5+s1] =	stream.linear.scatter [tilespmem:s19], [sflag:$0xC], $0x4000, $0x38;
	[tilespmem:$0x1CA00] =	vst v63  }
0x24c: {  	_ =	swait.ge [sflag:s6], $0x4000  }
0x24d: {  	s7 =	sld [smem:$0x7F3]  }
0x24e: {  	[sflag:s6] =	ssyncset.done $0x0  }
0x24f: {  	[sflag:s6] =	ssyncadd.s32 $0xFFFFC000  }
0x250: {  	[hbm4b:s7+s1] =	stream.linear.scatter [tilespmem:s11], [sflag:$0x7], $0x4000, $0x38;
	[tilespmem:$0x1CA00] =	vst v63  }
0x251: {  	_ =	swait.ge [sflag:s8], $0x4000  }
0x252: {  	[sflag:s8] =	ssyncset.done $0x0  }
0x253: {  	[sflag:s8] =	ssyncadd.s32 $0xFFFFC000;
	s8 =	sld [smem:$0x7F5];
	_ =	sdelay $0x2  }
0x254: {  	[hbm4b:s8+s1] =	stream.linear.scatter [tilespmem:s12], [sflag:$0x8], $0x4000, $0x38;
	[tilespmem:$0x1CA00] =	vst v63  }
0x255: {  	_ =	swait.ge [sflag:s17], $0x4000  }
0x256: {  	s19 =	sld [smem:$0x7F7]  }
0x257: {  	[sflag:s17] =	ssyncset.done $0x0  }
0x258: {  	[sflag:s17] =	ssyncadd.s32 $0xFFFFC000  }
0x259: {  	[hbm4b:s19+s1] =	stream.linear.scatter [tilespmem:s2], [sflag:$0x9], $0x4000, $0x38;
	[tilespmem:$0x1CA00] =	vst v63  }
0x25a: {  	_ =	swait.ge [sflag:s21], $0x4000  }
0x25b: {  	s28 =	sld [smem:$0x7F8]  }
0x25c: {  	[sflag:s21] =	ssyncset.done $0x0  }
0x25d: {  	[sflag:s21] =	ssyncadd.s32 $0xFFFFC000  }
0x25e: {  	[hbm4b:s28+s1] =	stream.linear.scatter [tilespmem:s15], [sflag:$0xA], $0x4000, $0x38;
	[tilespmem:$0x1CA00] =	vst v63  }
0x25f: {  	_ =	swait.ge [sflag:s13], $0x4000  }
0x260: {  	[sflag:s13] =	ssyncset.done $0x0  }
0x261: {  	[sflag:s13] =	ssyncadd.s32 $0xFFFFC000  }
0x262: {  	_ =	swait.ge [sflag:s18], $0x4000  }
0x263: {  	[sflag:s18] =	ssyncset.done $0x0  }
0x264: {  	[sflag:s18] =	ssyncadd.s32 $0xFFFFC000  }
0x265: {  	_ =	swait.ge [sflag:s14], $0x4000  }
0x266: {  	[sflag:s14] =	ssyncset.done $0x0  }
0x267: {  	[sflag:s14] =	ssyncadd.s32 $0xFFFFC000  }
0x268: {  	_ =	swait.ge [sflag:s20], $0x4000  }
0x269: {  	[sflag:s20] =	ssyncset.done $0x0  }
0x26a: {  	[sflag:s20] =	ssyncadd.s32 $0xFFFFC000  }
0x26b: {  	_ =	swait.ge [sflag:s24], $0x4000  }
0x26c: {  	[sflag:s24] =	ssyncset.done $0x0  }
0x26d: {  	[sflag:s24] =	ssyncadd.s32 $0xFFFFC000  }
0x26e: {  	_ =	swait.ge [sflag:s23], $0x4000  }
0x26f: {  	s31 =	sld [smem:$0x7EE];
	_ =	sdelay $0x2  }
0x270: {  	p0 =	sgt.s32 s31, $0x700  }
.Ltmp3:
0x271: {  	_ = 	snop;
	(pc) =	sbr.rel @p0 .LBB2_5-.Ltmp3, $4  }
0x272: {  	[sflag:s23] =	ssyncset.done $0x0  }
0x273: {  	s30 =	simm.s32 $0xF180;
	[sflag:s23] =	ssyncadd.s32 $0xFFFFC000  }
0x274: {  	s22 =	simm.s32 $0xF980;
	s25 =	simm.s32 $0x10180;
	[bflag:$0x0] =	sbarrier.arrive $0xFFFF  }
0x275: {  	s6 =	simm.s32 $0xE;
	s7 =	simm.s32 $0x8980;
	s2 =	simm.s32 $0xC980  }
0x276: {  	v12 =	vadd.s32 v1, v11  }
0x277: {  	v13 =	vshll.u32 v12, $0x3  }
0x278: {  	v14 =	vand.u32 $0x7, v12;
	v13 =	vand.u32 $0xFFFFFFC0, v13  }
0x279: {  	v13 =	vor.u32 v14, v13  }
0x27a: {  	v14 =	vperm.xlane v13, v5  }
0x27b: {  	s0 =	rddreg [dreg:$0x16];
	s8 =	simm.s32 $0x18980  }
0x27c: {  	[tilespmem:s8], [sflag:$0xE] =	stream.linear.gather [hbm4b:s0+s1], $0x4000, $0x38;
	v14 =	vadd.s32 v6, v14;
	[tilespmem:$0x1CA00] =	vst v63  }
0x27d: {  	_ =	swait.ge [sflag:s6], $0x4000  }
0x27e: {  	[sflag:s6] =	ssyncset.done $0x0;
	s5 =	sld [smem:$0x7F9]  }
0x27f: {  	[sflag:s6] =	ssyncadd.s32 $0xFFFFC000  }
0x280: {  	[tilespmem:$0x1C980] =	vst v12  }
0x281: {  	[hbm4b:s5+s1] =	stream.indirect_vreg.scatter [tilespmem:s8], [sflag:$0xD], $0x80, v14, vm0, $0xb8;
	[tilespmem:$0x1CA00] =	vst v63  }
0x282: {  	s12 =	simm.s32 $0x19180;
	v61 =	vperm.xlane v13, v8;
	s19 =	sadd.s32 $0x100, s5  }
0x283: {  	[hbm4b:s19+s1] =	stream.indirect_vreg.scatter [tilespmem:s12], [sflag:$0xD], $0x80, v14, vm0, $0xb8;
	[tilespmem:$0x1CA00] =	vst v63  }
0x284: {  	s13 =	simm.s32 $0x19980;
	s28 =	sadd.s32 $0x200, s5;
	v12 =	vadd.s32 v6, v61  }
0x285: {  	[hbm4b:s28+s1] =	stream.indirect_vreg.scatter [tilespmem:s13], [sflag:$0xD], $0x80, v14, vm0, $0xb8;
	[tilespmem:$0x1CA00] =	vst v63  }
0x286: {  	s14 =	simm.s32 $0x1A180;
	s31 =	sadd.s32 $0x300, s5  }
0x287: {  	[hbm4b:s31+s1] =	stream.indirect_vreg.scatter [tilespmem:s14], [sflag:$0xD], $0x80, v14, vm0, $0xb8;
	[tilespmem:$0x1CA00] =	vst v63  }
0x288: {  	s15 =	simm.s32 $0x1A980  }
0x289: {  	[hbm4b:s5+s1] =	stream.indirect_vreg.scatter [tilespmem:s15], [sflag:$0xD], $0x80, v12, vm0, $0xb8;
	[tilespmem:$0x1CA00] =	vst v63  }
0x28a: {  	s17 =	simm.s32 $0x1B180  }
0x28b: {  	[hbm4b:s19+s1] =	stream.indirect_vreg.scatter [tilespmem:s17], [sflag:$0xD], $0x80, v12, vm0, $0xb8;
	[tilespmem:$0x1CA00] =	vst v63  }
0x28c: {  	s18 =	simm.s32 $0x1B980  }
0x28d: {  	[hbm4b:s28+s1] =	stream.indirect_vreg.scatter [tilespmem:s18], [sflag:$0xD], $0x80, v12, vm0, $0xb8;
	[tilespmem:$0x1CA00] =	vst v63  }
0x28e: {  	v11 =	vadd.s32 v2, v11;
	s20 =	simm.s32 $0x1C180;
	s21 =	simm.s32 $0xD  }
0x28f: {  	v62 =	vshll.u32 v11, $0x3;
	[hbm4b:s31+s1] =	stream.indirect_vreg.scatter [tilespmem:s20], [sflag:$0xD], $0x80, v12, vm0, $0xb8;
	[tilespmem:$0x1CA00] =	vst v63  }
0x290: {  	v63 =	vand.u32 $0x7, v11;
	v13 =	vand.u32 $0xFFFFFFC0, v62;
	_ =	swait.ge [sflag:s21], $0x4000  }
0x291: {  	v12 =	vor.u32 v63, v13;
	s3 =	sld [smem:$0x7FD]  }
0x292: {  	v13 =	vperm.xlane v12, v5;
	[sflag:s21] =	ssyncset.done $0x0  }
0x293: {  	[sflag:s21] =	ssyncadd.s32 $0xFFFFC000  }
0x294: {  	v13 =	vadd.s32 v6, v13;
	[tilespmem:s8], [sflag:$0xE] =	stream.linear.gather [hbm4b:s3+s1], $0x4000, $0x38;
	[tilespmem:$0x1CA00] =	vst v63  }
0x295: {  	_ =	swait.ge [sflag:s6], $0x4000  }
0x296: {  	[sflag:s6] =	ssyncset.done $0x0  }
0x297: {  	[sflag:s6] =	ssyncadd.s32 $0xFFFFC000  }
0x298: {  	[tilespmem:$0x1C980] =	vst v11  }
0x299: {  	[hbm4b:s5+s1] =	stream.indirect_vreg.scatter [tilespmem:s8], [sflag:$0xD], $0x80, v13, vm0, $0xb8;
	[tilespmem:$0x1CA00] =	vst v63  }
0x29a: {  	v11 =	vperm.xlane v12, v8  }
0x29b: {  	[hbm4b:s19+s1] =	stream.indirect_vreg.scatter [tilespmem:s12], [sflag:$0xD], $0x80, v13, vm0, $0xb8;
	[tilespmem:$0x1CA00] =	vst v63  }
0x29c: {  	v11 =	vadd.s32 v6, v11  }
0x29d: {  	[hbm4b:s28+s1] =	stream.indirect_vreg.scatter [tilespmem:s13], [sflag:$0xD], $0x80, v13, vm0, $0xb8;
	[tilespmem:$0x1CA00] =	vst v63  }
0x29e: {  	_ = 	snop  }
0x29f: {  	[hbm4b:s31+s1] =	stream.indirect_vreg.scatter [tilespmem:s14], [sflag:$0xD], $0x80, v13, vm0, $0xb8;
	[tilespmem:$0x1CA00] =	vst v63  }
0x2a0: {  	_ = 	snop  }
0x2a1: {  	[hbm4b:s5+s1] =	stream.indirect_vreg.scatter [tilespmem:s15], [sflag:$0xD], $0x80, v11, vm0, $0xb8;
	[tilespmem:$0x1CA00] =	vst v63  }
0x2a2: {  	_ = 	snop  }
0x2a3: {  	[hbm4b:s19+s1] =	stream.indirect_vreg.scatter [tilespmem:s17], [sflag:$0xD], $0x80, v11, vm0, $0xb8;
	[tilespmem:$0x1CA00] =	vst v63  }
0x2a4: {  	_ = 	snop  }
0x2a5: {  	[hbm4b:s28+s1] =	stream.indirect_vreg.scatter [tilespmem:s18], [sflag:$0xD], $0x80, v11, vm0, $0xb8;
	[tilespmem:$0x1CA00] =	vst v63  }
.Ltmp4:
0x2a6: {  	_ = 	snop;
	(pc) =	sbr.rel .LBB2_5-.Ltmp4, $4  }
0x2a7: {  	[hbm4b:s31+s1] =	stream.indirect_vreg.scatter [tilespmem:s20], [sflag:$0xD], $0x80, v11, vm0, $0xb8;
	[tilespmem:$0x1CA00] =	vst v63  }
0x2a8: {  	_ =	swait.ge [sflag:s21], $0x4000  }
0x2a9: {  	[sflag:s21] =	ssyncset.done $0x0  }
0x2aa: {  	[sflag:s21] =	ssyncadd.s32 $0xFFFFC000  }
.LBB2_6:
0x2ab: {  	_ =	sfence.sel $0x180000  }
0x2ac: {  	[bflag:$0x0] =	sbarrier.arrive $0xFFFF  }
0x2ad: {  	_ =	strace $0x90000047  }
0x2ae: {  	s0 =	stileid.u32;
	[bflag:$0x2] =	sbarrier.arrive $0xFFFF  }
0x2af: {  	p0 =	sne.s32 s0, $0x0;
	s0 =	rddreg [dreg:$0x6]  }
0x2b0: {  	s0 =	sadd.s32 @!p0 $0x100000, s0  }
0x2b1: {  	[sflag:s0] =	ssyncadd.tile.s32 @!p0 $0x1;
	_ =	shalt  }
.Lfunc_end2:
_tile_overlayer_lowered:
.L_overlay_start_2:
0x2b2: {  	(tag) =	ssettag $0x2  }
0x2b3: {  	s0 =	rddreg [dreg:$0x0];
	s2 =	stileid.u32  }
0x2b4: {  	s1 =	rddreg [dreg:$0x1];
	p0 =	sne.s32 s2, $0x0  }
0x2b5: {  	s3 =	rddreg [dreg:$0x2];
	[bflag:$0x3] =	sbarrier.arrive $0xFFFF;
	s2 =	simm.s32 @!p0 $0x1C0E  }
0x2b6: {  	[timem:s3], [sflag:s2] =	dma.local @!p0 [hbm:s0], s1  }
0x2b7: {  	s0 =	simm.s32 @!p0 $0xE  }
0x2b8: {  	_ =	swait.ge @!p0 [sflag:s0], s1  }
0x2b9: {  	s1 =	ssub.s32 @!p0 $0x0, s1;
	[sflag:s0] =	ssyncset.done @!p0 $0x0  }
0x2ba: {  	[sflag:s0] =	ssyncadd.s32 @!p0 s1  }
0x2bb: {  	[bflag:$0x3] =	sbarrier.arrive $0xFFFF  }
0x2bc: {  	_ =	shalt  }

</sc_bundles>
